<compile_context>
chip_gen: v7x
topology: tpu7x:2x2x1
jax: 0.10.2.dev20260603
libtpu: 0.0.44.dev20260713+nightly
codegen_flags: <defaults>
</compile_context>

<pallas_src>
import functools

import jax
import jax.numpy as jnp
from jax import lax
from jax.experimental import pallas as pl
from jax.experimental.pallas import tpu as pltpu
from jax.experimental.pallas import tpu_sc as plsc

B_SEG = 1024
CHS = 1280
WSEG = 32
NEG_INF = float("-inf")


def _leaky(x):
    return jnp.maximum(x, 0.1 * x)


def _dot(a, b):
    return jnp.dot(a, b, preferred_element_type=jnp.float32)


def _split3_dot(oh, win):
    h1 = win.astype(jnp.bfloat16)
    r1 = win - h1.astype(jnp.float32)
    h2 = r1.astype(jnp.bfloat16)
    h3 = (r1 - h2.astype(jnp.float32)).astype(jnp.bfloat16)
    return _dot(oh, h1) + _dot(oh, h2) + _dot(oh, h3)


def _seg_starts(bid):
    return jnp.searchsorted(bid, jnp.arange(B_SEG + 1, dtype=bid.dtype),
                            side="left").astype(jnp.int32)


def _pre_kernel(lop_ref, hip_ref, loc_ref, hic_ref,
                xp_ref, xc_ref, bidp_ref, bidcr_ref,
                wpT_ref, bp_ref, wsT_ref, bs_ref,
                protseg_ref, supseg_ref):
    i = pl.program_id(0)

    @pl.when(i == 0)
    def _():
        protseg_ref[...] = jnp.full_like(protseg_ref, NEG_INF)
        supseg_ref[...] = jnp.zeros_like(supseg_ref)

    xp = xp_ref[...].astype(jnp.bfloat16)
    embp = _leaky(_dot(xp, wpT_ref[...]) + bp_ref[...])
    bidp = bidp_ref[...]

    def pbody(seg, _):
        vals = jnp.where(bidp == seg, embp, NEG_INF)
        m = jnp.max(vals, axis=0, keepdims=True)
        protseg_ref[pl.ds(seg, 1), :] = jnp.maximum(
            protseg_ref[pl.ds(seg, 1), :], m)
        return 0

    lax.fori_loop(lop_ref[i], hip_ref[i] + 1, pbody, 0)

    xc = xc_ref[...].astype(jnp.bfloat16)
    sc = _leaky(_dot(xc, wsT_ref[...]) + bs_ref[...])
    bidcr = bidcr_ref[0]
    lo = loc_ref[i]
    hi = hic_ref[i]
    lo_eff = jnp.minimum(lo, B_SEG - WSEG)

    def fast_sum():
        ohT = (lax.broadcasted_iota(jnp.int32, (WSEG, 1), 0) + lo_eff
               == bidcr).astype(jnp.bfloat16)
        part = _split3_dot(ohT, sc)
        supseg_ref[pl.ds(lo_eff, WSEG), :] = (
            supseg_ref[pl.ds(lo_eff, WSEG), :] + part)

    def slow_sum():
        def cbody(seg, _):
            vals = jnp.where(bidcr.reshape(CHS, 1) == seg, sc, 0.0)
            acc = jnp.sum(vals, axis=0, keepdims=True)
            supseg_ref[pl.ds(seg, 1), :] = supseg_ref[pl.ds(seg, 1), :] + acc
            return 0
        lax.fori_loop(lo, hi + 1, cbody, 0)

    lax.cond(hi - lo < WSEG, fast_sum, slow_sum)


def _main_kernel(lo_ref, hi_ref,
                 x_ref, bidc_ref, bidr_ref,
                 wcT_ref, bc_ref,
                 wr1cT_ref, wr1sT_ref, wr1pT_ref, br1_ref, wr2T_ref, br2_ref,
                 wa1cT_ref, wa1sT_ref, wa1pT_ref, ba1_ref, wa2_ref, ba2_ref,
                 sup_ref, prot_ref,
                 pa_out, vec_out, m_out, r_out,
                 baser_s, basea_s, baser_blk, basea_blk, v_s, m_s, s_s):
    i = pl.program_id(0)
    nb = pl.num_programs(0)
    lo = lo_ref[i]
    hi = hi_ref[i]

    @pl.when(i == 0)
    def _():
        supb = sup_ref[...].astype(jnp.bfloat16)
        protb = prot_ref[...].astype(jnp.bfloat16)
        baser_s[...] = (_dot(supb, wr1sT_ref[...]) + _dot(protb, wr1pT_ref[...])
                        + br1_ref[...])
        basea_s[...] = (_dot(supb, wa1sT_ref[...]) + _dot(protb, wa1pT_ref[...])
                        + ba1_ref[...])
        v_s[...] = jnp.zeros_like(v_s)
        m_s[...] = jnp.full_like(m_s, NEG_INF)
        s_s[...] = jnp.zeros_like(s_s)

    bid = bidc_ref[...]
    bidr = bidr_ref[0]
    lo_eff = jnp.minimum(lo, B_SEG - WSEG)

    def fast_base():
        oh = (bid - lo_eff
              == lax.broadcasted_iota(jnp.int32, (1, WSEG), 1)).astype(jnp.bfloat16)
        baser_blk[...] = _split3_dot(oh, baser_s[pl.ds(lo_eff, WSEG), :])
        basea_blk[...] = _split3_dot(oh, basea_s[pl.ds(lo_eff, WSEG), :])

    def slow_base():
        def bbody(seg, _):
            mask = bid == seg
            baser_blk[...] = jnp.where(mask, baser_s[pl.ds(seg, 1), :],
                                       baser_blk[...])
            basea_blk[...] = jnp.where(mask, basea_s[pl.ds(seg, 1), :],
                                       basea_blk[...])
            return 0
        lax.fori_loop(lo, hi + 1, bbody, 0)

    lax.cond(hi - lo < WSEG, fast_base, slow_base)

    x = x_ref[...].astype(jnp.bfloat16)
    emb = _leaky(_dot(x, wcT_ref[...]) + bc_ref[...])
    embb = emb.astype(jnp.bfloat16)
    h_rb = _leaky(_dot(embb, wr1cT_ref[...])
                  + baser_blk[...]).astype(jnp.bfloat16)
    h_a = _leaky(_dot(embb, wa1cT_ref[...]) + basea_blk[...])
    pa = lax.dot_general(
        wa2_ref[...], h_a.astype(jnp.bfloat16),
        (((1,), (1,)), ((), ())),
        preferred_element_type=jnp.float32) + ba2_ref[...]
    pa_out[0] = pa

    def mbody(seg, _):
        maskr = bidr == seg
        pam = jnp.where(maskr, pa, NEG_INF)
        mblk = jnp.max(pam, axis=1, keepdims=True)
        mold = m_s[pl.ds(seg, 1), 0:1]
        mnew = jnp.maximum(mold, mblk)
        scale = jnp.where(mold == NEG_INF, 0.0, jnp.exp(mold - mnew))
        e = jnp.where(maskr, jnp.exp(pa - mnew), 0.0)
        ssum = jnp.sum(e, axis=1, keepdims=True)
        vsum = _dot(e.astype(jnp.bfloat16), h_rb)
        s_s[pl.ds(seg, 1), :] = s_s[pl.ds(seg, 1), :] * scale + ssum
        v_s[pl.ds(seg, 1), :] = v_s[pl.ds(seg, 1), :] * scale + vsum
        m_s[pl.ds(seg, 1), :] = jnp.broadcast_to(mnew, (1, 128))
        return 0

    lax.fori_loop(lo, hi + 1, mbody, 0)

    @pl.when(i == nb - 1)
    def _():
        r = 1.0 / (s_s[...] + 1e-6)
        vr = (v_s[...] * r).astype(jnp.bfloat16)
        vec_out[...] = _dot(vr, wr2T_ref[...]) + br2_ref[...] * (s_s[...] * r)
        m_out[...] = m_s[...]
        r_out[...] = r


_SC_NC = 2
_SC_NS = 16
_SC_NW = _SC_NC * _SC_NS
_SC_L = 16


def _make_alpha_sc(n):
    rows = n // _SC_NW
    mesh = plsc.VectorSubcoreMesh(core_axis_name="c", subcore_axis_name="s")

    @functools.partial(
        pl.kernel, mesh=mesh,
        out_type=jax.ShapeDtypeStruct((n,), jnp.float32),
        compiler_params=pltpu.CompilerParams(needs_layout_passes=False),
        scratch_types=[pltpu.VMEM((B_SEG,), jnp.float32),
                       pltpu.VMEM((B_SEG,), jnp.float32),
                       pltpu.VMEM((rows,), jnp.float32),
                       pltpu.VMEM((rows,), jnp.int32),
                       pltpu.VMEM((rows,), jnp.float32)],
    )
    def alpha_sc(pa_h, bid_h, m_h, r_h, out_h, m_v, r_v, pa_v, bid_v, a_v):
        wid = lax.axis_index("s") * _SC_NC + lax.axis_index("c")
        base = wid * rows
        pltpu.sync_copy(m_h, m_v)
        pltpu.sync_copy(r_h, r_v)
        pltpu.sync_copy(pa_h.at[pl.ds(base, rows)], pa_v)
        pltpu.sync_copy(bid_h.at[pl.ds(base, rows)], bid_v)

        def body(i, _):
            sl = pl.ds(i * _SC_L, _SC_L)
            idx = bid_v[sl]
            mv = plsc.load_gather(m_v, [idx])
            rv = plsc.load_gather(r_v, [idx])
            a_v[sl] = jnp.exp(pa_v[sl] - mv) * rv
            return 0

        lax.fori_loop(0, rows // _SC_L, body, 0)
        pltpu.sync_copy(a_v, out_h.at[pl.ds(base, rows)])

    return alpha_sc


def _head_kernel(vraw_ref, n_ref, wo1T_ref, bo1_ref, wo2T_ref, bo2_ref,
                 vec_ref, aff_ref):
    vec = jnp.where(n_ref[...] > 0, vraw_ref[...], 0.0)
    vec_ref[...] = vec
    hh = _leaky(_dot(vec.astype(jnp.bfloat16), wo1T_ref[...]) + bo1_ref[...])
    aff_ref[...] = _dot(hh.astype(jnp.bfloat16), wo2T_ref[...]) + bo2_ref[...]


def _full_spec(shape):
    return pl.BlockSpec(shape, lambda i, *_: tuple(0 for _ in shape))


def kernel(comp_feature, prot_feature, batch_comp, batch_prot,
           Wc, bc, Ws, bs, Wp, bp, Wr1, br1, Wr2, br2,
           Wa1, ba1, Wa2, ba2, Wo1, bo1, Wo2, bo2):
    n_c, h = comp_feature.shape
    n_p, _ = prot_feature.shape
    nb_c = n_c // CHS
    nb_p = n_p // CHS
    f32 = jnp.float32
    bf16 = jnp.bfloat16

    bid_c = batch_comp.astype(jnp.int32)
    bid_p = batch_prot.astype(jnp.int32)
    starts_c = _seg_starts(bid_c)
    nseg_c = starts_c[1:] - starts_c[:-1]

    def row2(v):
        return v.reshape(1, -1).astype(f32)

    wpT = Wp.T.astype(bf16)
    wsT = Ws.T.astype(bf16)
    wcT = Wc.T.astype(bf16)
    wr1cT = Wr1[:, :h].T.astype(bf16)
    wr1sT = Wr1[:, h:2 * h].T.astype(bf16)
    wr1pT = Wr1[:, 2 * h:].T.astype(bf16)
    wr2T = Wr2.T.astype(bf16)
    wa1cT = Wa1[:, :h].T.astype(bf16)
    wa1sT = Wa1[:, h:2 * h].T.astype(bf16)
    wa1pT = Wa1[:, 2 * h:].T.astype(bf16)
    wo1T = Wo1.T.astype(bf16)
    wo2T = Wo2.T.astype(bf16)
    ba2r = ba2.reshape(1, 1).astype(f32)
    bo2r = bo2.reshape(1, 1).astype(f32)

    lo_p = bid_p[0::CHS]
    hi_p = bid_p[CHS - 1::CHS]
    lo_c = bid_c[0::CHS]
    hi_c = bid_c[CHS - 1::CHS]

    prot_seg, sup_seg = pl.pallas_call(
        _pre_kernel,
        grid_spec=pltpu.PrefetchScalarGridSpec(
            num_scalar_prefetch=4,
            grid=(nb_p,),
            in_specs=[pl.BlockSpec((CHS, h), lambda i, *_: (i, 0)),
                      pl.BlockSpec((CHS, h), lambda i, *_: (i, 0)),
                      pl.BlockSpec((CHS, 1), lambda i, *_: (i, 0)),
                      pl.BlockSpec((1, 1, CHS), lambda i, *_: (i, 0, 0)),
                      _full_spec((h, h)), _full_spec((1, h)),
                      _full_spec((h, h)), _full_spec((1, h))],
            out_specs=[_full_spec((B_SEG, h)), _full_spec((B_SEG, h))],
        ),
        out_shape=[jax.ShapeDtypeStruct((B_SEG, h), f32),
                   jax.ShapeDtypeStruct((B_SEG, h), f32)],
    )(lo_p, hi_p, lo_c, hi_c,
      prot_feature, comp_feature,
      bid_p.reshape(n_p, 1), bid_c.reshape(nb_c, 1, CHS),
      wpT, row2(bp), wsT, row2(bs))

    bid_col = bid_c.reshape(n_c, 1)
    bid_row = bid_c.reshape(nb_c, 1, CHS)
    pa, vraw, m_arr, r_arr = pl.pallas_call(
        _main_kernel,
        grid_spec=pltpu.PrefetchScalarGridSpec(
            num_scalar_prefetch=2,
            grid=(nb_c,),
            in_specs=[pl.BlockSpec((CHS, h), lambda i, *_: (i, 0)),
                      pl.BlockSpec((CHS, 1), lambda i, *_: (i, 0)),
                      pl.BlockSpec((1, 1, CHS), lambda i, *_: (i, 0, 0)),
                      _full_spec((h, h)), _full_spec((1, h)),
                      _full_spec((h, h)), _full_spec((h, h)), _full_spec((h, h)),
                      _full_spec((1, h)), _full_spec((h, h)), _full_spec((1, h)),
                      _full_spec((h, h)), _full_spec((h, h)), _full_spec((h, h)),
                      _full_spec((1, h)), _full_spec((1, h)), _full_spec((1, 1)),
                      _full_spec((B_SEG, h)), _full_spec((B_SEG, h))],
            out_specs=[pl.BlockSpec((1, 1, CHS), lambda i, *_: (i, 0, 0)),
                       _full_spec((B_SEG, h)),
                       _full_spec((B_SEG, h)),
                       _full_spec((B_SEG, h))],
            scratch_shapes=[pltpu.VMEM((B_SEG, h), f32),
                            pltpu.VMEM((B_SEG, h), f32),
                            pltpu.VMEM((CHS, h), f32),
                            pltpu.VMEM((CHS, h), f32),
                            pltpu.VMEM((B_SEG, h), f32),
                            pltpu.VMEM((B_SEG, h), f32),
                            pltpu.VMEM((B_SEG, h), f32)],
        ),
        out_shape=[jax.ShapeDtypeStruct((nb_c, 1, CHS), f32),
                   jax.ShapeDtypeStruct((B_SEG, h), f32),
                   jax.ShapeDtypeStruct((B_SEG, h), f32),
                   jax.ShapeDtypeStruct((B_SEG, h), f32)],
    )(lo_c, hi_c, comp_feature, bid_col, bid_row,
      wcT, row2(bc),
      wr1cT, wr1sT, wr1pT, row2(br1), wr2T, row2(br2),
      wa1cT, wa1sT, wa1pT, row2(ba1), Wa2.astype(bf16), ba2r,
      sup_seg, prot_seg)

    alpha_flat = _make_alpha_sc(n_c)(
        pa.reshape(n_c), bid_c, m_arr[:, 0], r_arr[:, 0])
    alpha = alpha_flat.reshape(n_c, 1)

    vector, affinity = pl.pallas_call(
        _head_kernel,
        grid=(1,),
        in_specs=[_full_spec((B_SEG, h)), _full_spec((B_SEG, 1)),
                  _full_spec((h, h)), _full_spec((1, h)),
                  _full_spec((h, 1)), _full_spec((1, 1))],
        out_specs=[_full_spec((B_SEG, h)), _full_spec((B_SEG, 1))],
        out_shape=[jax.ShapeDtypeStruct((B_SEG, h), f32),
                   jax.ShapeDtypeStruct((B_SEG, 1), f32)],
    )(vraw, nseg_c.reshape(B_SEG, 1), wo1T, row2(bo1), wo2T, bo2r)

    return vector, alpha, affinity

# --- scband reference (transcript-rebuilt; emitter-appended) ---
"""Pipeline reference for scband-affinity-neural-network-cliff-net-f-29300266893466 (READ-ONLY COPY).

The authoritative reference and input builder live on the scoring server;
editing this copy changes nothing except your own understanding.
"""

import jax, jax.numpy as jnp
import numpy as np

H_COMP = 128
H_PROT = 128
H_AFF = 128
N_COMP = 320000
N_PROT = 320000
B = 1024


def leaky(x):
    return jnp.where(x >= 0, x, 0.1 * x)


def setup_inputs(seed: int = 0):
    key = jax.random.key(seed)
    ks = jax.random.split(key, 16)

    def w(k, shape, fan):
        return (jax.random.normal(k, shape, jnp.float32) / np.sqrt(fan)).astype(jnp.float32)

    inp = {}
    inp["comp_feature"] = jax.random.normal(ks[0], (N_COMP, H_COMP), jnp.float32)
    inp["prot_feature"] = jax.random.normal(ks[1], (N_PROT, H_PROT), jnp.float32)
    inp["batch_comp"] = jnp.sort(jax.random.randint(ks[2], (N_COMP,), 0, B))
    inp["batch_prot"] = jnp.sort(jax.random.randint(ks[3], (N_PROT,), 0, B))
    inp["Wc"] = w(ks[4], (H_AFF, H_COMP), H_COMP); inp["bc"] = jnp.zeros((H_AFF,), jnp.float32)
    inp["Ws"] = w(ks[5], (H_AFF, H_COMP), H_COMP); inp["bs"] = jnp.zeros((H_AFF,), jnp.float32)
    inp["Wp"] = w(ks[6], (H_AFF, H_PROT), H_PROT); inp["bp"] = jnp.zeros((H_AFF,), jnp.float32)
    inp["Wr1"] = w(ks[7], (H_AFF, 3 * H_AFF), 3 * H_AFF); inp["br1"] = jnp.zeros((H_AFF,), jnp.float32)
    inp["Wr2"] = w(ks[8], (H_AFF, H_AFF), H_AFF); inp["br2"] = jnp.zeros((H_AFF,), jnp.float32)
    inp["Wa1"] = w(ks[9], (H_AFF, 3 * H_AFF), 3 * H_AFF); inp["ba1"] = jnp.zeros((H_AFF,), jnp.float32)
    inp["Wa2"] = w(ks[10], (1, H_AFF), H_AFF); inp["ba2"] = jnp.zeros((1,), jnp.float32)
    inp["Wo1"] = w(ks[11], (H_AFF, H_AFF), H_AFF); inp["bo1"] = jnp.zeros((H_AFF,), jnp.float32)
    inp["Wo2"] = w(ks[12], (1, H_AFF), H_AFF); inp["bo2"] = jnp.zeros((1,), jnp.float32)
    return inp


def reference(comp_feature, prot_feature, batch_comp, batch_prot, Wc, bc, Ws, bs, Wp, bp, Wr1, br1, Wr2, br2, Wa1, ba1, Wa2, ba2, Wo1, bo1, Wo2, bo2):
    comp_embedding = leaky(comp_feature @ Wc.T + bc)
    prot_embedding = leaky(prot_feature @ Wp.T + bp)
    prot_seg = jax.ops.segment_max(prot_embedding, batch_prot, num_segments=B)
    sup_seg = jax.ops.segment_sum(leaky(comp_feature @ Ws.T + bs), batch_comp, num_segments=B)
    feature = jnp.concatenate([comp_embedding, sup_seg[batch_comp], prot_seg[batch_comp]], axis=1)
    raw = leaky(feature @ Wr1.T + br1) @ Wr2.T + br2
    prealpha = leaky(feature @ Wa1.T + ba1) @ Wa2.T + ba2
    a_max = jax.ops.segment_max(prealpha, batch_comp, num_segments=B)
    a_exp = jnp.exp(prealpha - a_max[batch_comp])
    a_sum = jax.ops.segment_sum(a_exp, batch_comp, num_segments=B) + 1e-06
    alpha = a_exp / a_sum[batch_comp]
    vector = jax.ops.segment_sum(raw * alpha, batch_comp, num_segments=B)
    affinity_pred = leaky(vector @ Wo1.T + bo1) @ Wo2.T + bo2
    return (vector, alpha, affinity_pred)

if __name__ == "__main__":
    import jax
    _d = setup_inputs()
    print(jax.jit(kernel)(*tuple(_d.values())))

</pallas_src>

<mosaic_0001>
#map = affine_map<(d0, d1) -> (0)>
module attributes {stable_mosaic.version = 14 : i64} {
  func.func @alpha_sc(%arg0: i32, %arg1: i32, %arg2: memref<320000xf32, #tpu.memory_space<hbm>>, %arg3: memref<320000xi32, #tpu.memory_space<hbm>>, %arg4: memref<1024xf32, #tpu.memory_space<hbm>>, %arg5: memref<1024xf32, #tpu.memory_space<hbm>>, %arg6: memref<320000xf32, #tpu.memory_space<hbm>>, %arg7: memref<1024xf32, #tpu.memory_space<vmem>>, %arg8: memref<1024xf32, #tpu.memory_space<vmem>>, %arg9: memref<10000xf32, #tpu.memory_space<vmem>>, %arg10: memref<10000xi32, #tpu.memory_space<vmem>>, %arg11: memref<10000xf32, #tpu.memory_space<vmem>>) attributes {dimension_semantics = [#tpu.dimension_semantics<core_parallel>, #tpu.dimension_semantics<subcore_parallel>], iteration_bounds = array<i64: 2, 16>, scalar_prefetch = 0 : i64, scratch_operands = 5 : i64, tpu.core_type = #tpu.core_type<sc_vector_subcore>, window_params = [{transform_indices = #map}, {transform_indices = #map}, {transform_indices = #map}, {transform_indices = #map}, {transform_indices = #map}]} {
    %mul3A = arith.constant 2 : i32
    %mul3A_0 = arith.muli %arg1, %mul3A : i32
    %add3A = arith.addi %mul3A_0, %arg0 : i32
    %mul3A_1 = arith.constant 10000 : i32
    %mul3A_2 = arith.muli %add3A, %mul3A_1 : i32
    "tpu.region"() ({
      %run_scoped3A = tpu.sem_alloc : memref<!tpu.dma_semaphore, #tpu.memory_space<semaphore_mem>>
      tpu.enqueue_dma source(%arg4 : memref<1024xf32, #tpu.memory_space<hbm>>) target(%arg7 : memref<1024xf32, #tpu.memory_space<vmem>>) target_semaphore(%run_scoped3A : memref<!tpu.dma_semaphore, #tpu.memory_space<semaphore_mem>>)
      tpu.wait_dma2 semaphore(%run_scoped3A : memref<!tpu.dma_semaphore, #tpu.memory_space<semaphore_mem>>) src(%arg4 : memref<1024xf32, #tpu.memory_space<hbm>>) dst(%arg7 : memref<1024xf32, #tpu.memory_space<vmem>>)
      tpu.yield
    }) : () -> ()
    "tpu.region"() ({
      %run_scoped3A = tpu.sem_alloc : memref<!tpu.dma_semaphore, #tpu.memory_space<semaphore_mem>>
      tpu.enqueue_dma source(%arg5 : memref<1024xf32, #tpu.memory_space<hbm>>) target(%arg8 : memref<1024xf32, #tpu.memory_space<vmem>>) target_semaphore(%run_scoped3A : memref<!tpu.dma_semaphore, #tpu.memory_space<semaphore_mem>>)
      tpu.wait_dma2 semaphore(%run_scoped3A : memref<!tpu.dma_semaphore, #tpu.memory_space<semaphore_mem>>) src(%arg5 : memref<1024xf32, #tpu.memory_space<hbm>>) dst(%arg8 : memref<1024xf32, #tpu.memory_space<vmem>>)
      tpu.yield
    }) : () -> ()
    "tpu.region"() ({
      %run_scoped3A = tpu.sem_alloc : memref<!tpu.dma_semaphore, #tpu.memory_space<semaphore_mem>>
      %dma_start3A = tpu.memref_slice %arg2[%mul3A_2] : memref<320000xf32, #tpu.memory_space<hbm>> -> memref<10000xf32, #tpu.memory_space<hbm>>
      %dma_start3A_9 = tpu.memref_slice %arg2[%mul3A_2] : memref<320000xf32, #tpu.memory_space<hbm>> -> memref<10000xf32, #tpu.memory_space<hbm>>
      tpu.enqueue_dma source(%dma_start3A_9 : memref<10000xf32, #tpu.memory_space<hbm>>) target(%arg9 : memref<10000xf32, #tpu.memory_space<vmem>>) target_semaphore(%run_scoped3A : memref<!tpu.dma_semaphore, #tpu.memory_space<semaphore_mem>>)
      %dma_wait3A = tpu.memref_slice %arg2[%mul3A_2] : memref<320000xf32, #tpu.memory_space<hbm>> -> memref<10000xf32, #tpu.memory_space<hbm>>
      %dma_wait3A_10 = tpu.memref_slice %arg2[%mul3A_2] : memref<320000xf32, #tpu.memory_space<hbm>> -> memref<10000xf32, #tpu.memory_space<hbm>>
      tpu.wait_dma2 semaphore(%run_scoped3A : memref<!tpu.dma_semaphore, #tpu.memory_space<semaphore_mem>>) src(%dma_wait3A_10 : memref<10000xf32, #tpu.memory_space<hbm>>) dst(%arg9 : memref<10000xf32, #tpu.memory_space<vmem>>)
      tpu.yield
    }) : () -> ()
    "tpu.region"() ({
      %run_scoped3A = tpu.sem_alloc : memref<!tpu.dma_semaphore, #tpu.memory_space<semaphore_mem>>
      %dma_start3A = tpu.memref_slice %arg3[%mul3A_2] : memref<320000xi32, #tpu.memory_space<hbm>> -> memref<10000xi32, #tpu.memory_space<hbm>>
      %dma_start3A_9 = tpu.memref_slice %arg3[%mul3A_2] : memref<320000xi32, #tpu.memory_space<hbm>> -> memref<10000xi32, #tpu.memory_space<hbm>>
      tpu.enqueue_dma source(%dma_start3A_9 : memref<10000xi32, #tpu.memory_space<hbm>>) target(%arg10 : memref<10000xi32, #tpu.memory_space<vmem>>) target_semaphore(%run_scoped3A : memref<!tpu.dma_semaphore, #tpu.memory_space<semaphore_mem>>)
      %dma_wait3A = tpu.memref_slice %arg3[%mul3A_2] : memref<320000xi32, #tpu.memory_space<hbm>> -> memref<10000xi32, #tpu.memory_space<hbm>>
      %dma_wait3A_10 = tpu.memref_slice %arg3[%mul3A_2] : memref<320000xi32, #tpu.memory_space<hbm>> -> memref<10000xi32, #tpu.memory_space<hbm>>
      tpu.wait_dma2 semaphore(%run_scoped3A : memref<!tpu.dma_semaphore, #tpu.memory_space<semaphore_mem>>) src(%dma_wait3A_10 : memref<10000xi32, #tpu.memory_space<hbm>>) dst(%arg10 : memref<10000xi32, #tpu.memory_space<vmem>>)
      tpu.yield
    }) : () -> ()
    %scan3A = arith.constant 0 : i32
    %scan3A_3 = arith.constant 0 : i32
    %scan3A_4 = arith.constant 625 : i32
    %scan3A_5 = arith.addi %scan3A_3, %scan3A_4 : i32
    %scan3A_6 = arith.constant 1 : i32
    %scan3A_7 = scf.for %scan3A_9 = %scan3A_3 to %scan3A_5 step %scan3A_6 iter_args(%scan3A_10 = %scan3A) -> (i32)  : i32 {
      %mul3A_11 = arith.constant 16 : i32
      %mul3A_12 = arith.muli %scan3A_9, %mul3A_11 : i32
      %get3A = arith.index_cast %mul3A_12 : i32 to index
      %get3A_13 = tpu.vector_load %arg10[%get3A] {strides = array<i32>} : memref<10000xi32, #tpu.memory_space<vmem>>, vector<16xi32>,
      %gather3A = tpu.vector_load_idx %arg7[%get3A_13] : memref<1024xf32, #tpu.memory_space<vmem>>[vector<16xi32>], vector<16xf32>,
      %gather3A_14 = tpu.vector_load_idx %arg8[%get3A_13] : memref<1024xf32, #tpu.memory_space<vmem>>[vector<16xi32>], vector<16xf32>,
      %get3A_15 = arith.index_cast %mul3A_12 : i32 to index
      %get3A_16 = tpu.vector_load %arg9[%get3A_15] {strides = array<i32>} : memref<10000xf32, #tpu.memory_space<vmem>>, vector<16xf32>,
      %sub3A = arith.subf %get3A_16, %gather3A : vector<16xf32>
      %exp3A = math.exp %sub3A : vector<16xf32>
      %mul3A_17 = arith.mulf %exp3A, %gather3A_14 : vector<16xf32>
      %swap3A = arith.index_cast %mul3A_12 : i32 to index
      %swap3A_18 = tpu.vector_load %arg11[%swap3A] {strides = array<i32>} : memref<10000xf32, #tpu.memory_space<vmem>>, vector<16xf32>,
      tpu.vector_store %arg11[%swap3A], %mul3A_17 {strides = array<i32>} : memref<10000xf32, #tpu.memory_space<vmem>>, vector<16xf32>,
      %scan3A_19 = arith.constant 0 : i32
      scf.yield %scan3A_19 : i32
    }
    %scan3A_8 = arith.constant 625 : i32
    "tpu.region"() ({
      %run_scoped3A = tpu.sem_alloc : memref<!tpu.dma_semaphore, #tpu.memory_space<semaphore_mem>>
      %dma_start3A = tpu.memref_slice %arg6[%mul3A_2] : memref<320000xf32, #tpu.memory_space<hbm>> -> memref<10000xf32, #tpu.memory_space<hbm>>
      %dma_start3A_9 = tpu.memref_slice %arg6[%mul3A_2] : memref<320000xf32, #tpu.memory_space<hbm>> -> memref<10000xf32, #tpu.memory_space<hbm>>
      tpu.enqueue_dma source(%arg11 : memref<10000xf32, #tpu.memory_space<vmem>>) target(%dma_start3A_9 : memref<10000xf32, #tpu.memory_space<hbm>>) target_semaphore(%run_scoped3A : memref<!tpu.dma_semaphore, #tpu.memory_space<semaphore_mem>>)
      %dma_wait3A = tpu.memref_slice %arg6[%mul3A_2] : memref<320000xf32, #tpu.memory_space<hbm>> -> memref<10000xf32, #tpu.memory_space<hbm>>
      %dma_wait3A_10 = tpu.memref_slice %arg6[%mul3A_2] : memref<320000xf32, #tpu.memory_space<hbm>> -> memref<10000xf32, #tpu.memory_space<hbm>>
      tpu.wait_dma2 semaphore(%run_scoped3A : memref<!tpu.dma_semaphore, #tpu.memory_space<semaphore_mem>>) src(%arg11 : memref<10000xf32, #tpu.memory_space<vmem>>) dst(%dma_wait3A_10 : memref<10000xf32, #tpu.memory_space<hbm>>)
      tpu.yield
    }) : () -> ()
    return
  }
}

module attributes {stable_mosaic.version = 14 : i64} {
  func.func @_pre_kernel(%arg0: i32, %arg1: memref<250xi32, #tpu.memory_space<smem>>, %arg2: memref<250xi32, #tpu.memory_space<smem>>, %arg3: memref<250xi32, #tpu.memory_space<smem>>, %arg4: memref<250xi32, #tpu.memory_space<smem>>, %arg5: memref<1280x128xf32, #tpu.memory_space<vmem>>, %arg6: memref<1280x128xf32, #tpu.memory_space<vmem>>, %arg7: memref<1280x1xi32, #tpu.memory_space<vmem>>, %arg8: memref<1x1x1280xi32, #tpu.memory_space<vmem>>, %arg9: memref<128x128xbf16, #tpu.memory_space<vmem>>, %arg10: memref<1x128xf32, #tpu.memory_space<vmem>>, %arg11: memref<128x128xbf16, #tpu.memory_space<vmem>>, %arg12: memref<1x128xf32, #tpu.memory_space<vmem>>, %arg13: memref<1024x128xf32, #tpu.memory_space<vmem>>, %arg14: memref<1024x128xf32, #tpu.memory_space<vmem>>) attributes {dimension_semantics = [#tpu.dimension_semantics<arbitrary>], iteration_bounds = array<i64: 250>, scalar_prefetch = 4 : i64, scratch_operands = 0 : i64, tpu.core_type = #tpu.core_type<tc>, window_params = [{transform_indices = @transform_0, window_bounds = array<i64: 1280, 128>}, {transform_indices = @transform_1, window_bounds = array<i64: 1280, 128>}, {transform_indices = @transform_2, window_bounds = array<i64: 1280, 1>}, {transform_indices = @transform_3, window_bounds = array<i64: 1, 1, 1280>}, {pipeline_mode = #tpu.pipeline_mode<synchronous>, transform_indices = @transform_4, window_bounds = array<i64: 128, 128>}, {pipeline_mode = #tpu.pipeline_mode<synchronous>, transform_indices = @transform_5, window_bounds = array<i64: 1, 128>}, {pipeline_mode = #tpu.pipeline_mode<synchronous>, transform_indices = @transform_6, window_bounds = array<i64: 128, 128>}, {pipeline_mode = #tpu.pipeline_mode<synchronous>, transform_indices = @transform_7, window_bounds = array<i64: 1, 128>}, {pipeline_mode = #tpu.pipeline_mode<synchronous>, transform_indices = @transform_8, window_bounds = array<i64: 1024, 128>}, {pipeline_mode = #tpu.pipeline_mode<synchronous>, transform_indices = @transform_9, window_bounds = array<i64: 1024, 128>}]} {
    %eq3A = arith.constant 0 : i32
    %eq3A_0 = arith.cmpi eq, %arg0, %eq3A : i32
    %convert_element_type3A = arith.extui %eq3A_0 : i1 to i32
    %cond3A = arith.constant 0 : i32
    %cond3A_1 = arith.cmpi ne, %convert_element_type3A, %cond3A : i32
    scf.if %cond3A_1 {
      %broadcast_in_dim3A = arith.constant 0xFF800000 : f32
      %broadcast_in_dim3A_66 = vector.broadcast %broadcast_in_dim3A : f32 to vector<1024x128xf32>
      %swap3A = arith.constant 0 : index
      %swap3A_67 = arith.constant 0 : index
      %swap3A_68 = vector.load %arg13[%swap3A, %swap3A_67] : memref<1024x128xf32, #tpu.memory_space<vmem>>, vector<1024x128xf32>
      tpu.vector_store %arg13[%swap3A, %swap3A_67], %broadcast_in_dim3A_66 {strides = array<i32>} : memref<1024x128xf32, #tpu.memory_space<vmem>>, vector<1024x128xf32>,
      %broadcast_in_dim3A_69 = arith.constant 0.000000e+00 : f32
      %broadcast_in_dim3A_70 = vector.broadcast %broadcast_in_dim3A_69 : f32 to vector<1024x128xf32>
      %swap3A_71 = arith.constant 0 : index
      %swap3A_72 = arith.constant 0 : index
      %swap3A_73 = vector.load %arg14[%swap3A_71, %swap3A_72] : memref<1024x128xf32, #tpu.memory_space<vmem>>, vector<1024x128xf32>
      tpu.vector_store %arg14[%swap3A_71, %swap3A_72], %broadcast_in_dim3A_70 {strides = array<i32>} : memref<1024x128xf32, #tpu.memory_space<vmem>>, vector<1024x128xf32>,
    } else {
    }
    %get3A = arith.constant 0 : index
    %get3A_2 = arith.constant 0 : index
    %get3A_3 = vector.load %arg5[%get3A, %get3A_2] : memref<1280x128xf32, #tpu.memory_space<vmem>>, vector<1280x128xf32>
    %convert_element_type3A_4 = arith.truncf %get3A_3 : vector<1280x128xf32> to vector<1280x128xbf16>
    %get3A_5 = arith.constant 0 : index
    %get3A_6 = arith.constant 0 : index
    %get3A_7 = vector.load %arg9[%get3A_5, %get3A_6] : memref<128x128xbf16, #tpu.memory_space<vmem>>, vector<128x128xbf16>
    %dot_general3A = arith.constant dense<0.000000e+00> : vector<1280x128xf32>
    %dot_general3A_8 = tpu.matmul %convert_element_type3A_4, %get3A_7, %dot_general3A {dimension_numbers = #tpu.dot_dimension_numbers<[1], [0], [0], [1], [0, 0, 1, 1], [], []>, transpose_lhs_hint = false} : vector<1280x128xbf16>, vector<128x128xbf16>, vector<1280x128xf32> -> vector<1280x128xf32>
    %get3A_9 = arith.constant 0 : index
    %get3A_10 = arith.constant 0 : index
    %get3A_11 = vector.load %arg10[%get3A_9, %get3A_10] : memref<1x128xf32, #tpu.memory_space<vmem>>, vector<1x128xf32>
    %add3A = vector.broadcast %get3A_11 : vector<1x128xf32> to vector<1280x128xf32>
    %add3A_12 = arith.addf %dot_general3A_8, %add3A : vector<1280x128xf32>
    %mul3A = arith.constant 1.000000e-01 : f32
    %mul3A_13 = vector.broadcast %mul3A : f32 to vector<1280x128xf32>
    %mul3A_14 = arith.mulf %mul3A_13, %add3A_12 : vector<1280x128xf32>
    %max3A = arith.maximumf %add3A_12, %mul3A_14 : vector<1280x128xf32>
    %get3A_15 = arith.constant 0 : index
    %get3A_16 = arith.constant 0 : index
    %get3A_17 = vector.load %arg7[%get3A_15, %get3A_16] : memref<1280x1xi32, #tpu.memory_space<vmem>>, vector<1280x1xi32>
    %get3A_18 = arith.index_cast %arg0 : i32 to index
    %get3A_19 = memref.load %arg1[%get3A_18] : memref<250xi32, #tpu.memory_space<smem>>
    %get3A_20 = arith.index_cast %arg0 : i32 to index
    %get3A_21 = memref.load %arg2[%get3A_20] : memref<250xi32, #tpu.memory_space<smem>>
    %add3A_22 = arith.constant 1 : i32
    %add3A_23 = arith.addi %get3A_21, %add3A_22 : i32
    %while3A = arith.constant 0 : i32
    %while3A_24 = arith.subi %add3A_23, %get3A_19 : i32
    %while3A_25 = arith.addi %get3A_19, %while3A_24 : i32
    %while3A_26 = arith.constant 1 : i32
    %while3A_27 = arith.divsi %while3A_24, %while3A_26 : i32
    %while3A_28 = arith.muli %while3A_27, %while3A_26 : i32
    %while3A_29 = arith.addi %get3A_19, %while3A_28 : i32
    %while3A_30 = arith.constant 1 : i32
    %while3A_31 = scf.for %while3A_66 = %get3A_19 to %while3A_29 step %while3A_30 iter_args(%while3A_67 = %while3A) -> (i32)  : i32 {
      %eq3A_68 = vector.broadcast %while3A_66 : i32 to vector<1280x1xi32>
      %eq3A_69 = arith.cmpi eq, %get3A_17, %eq3A_68 : vector<1280x1xi32>
      %jit3A = arith.constant 0xFF800000 : f32
      %broadcast_in_dim3A = vector.shape_cast %eq3A_69 : vector<1280x1xi1> to vector<1280x1xi1>
      %broadcast_in_dim3A_70 = vector.broadcast %broadcast_in_dim3A : vector<1280x1xi1> to vector<1280x128xi1>
      %broadcast_in_dim3A_71 = vector.broadcast %jit3A : f32 to vector<1280x128xf32>
      %select_n3A = arith.select %broadcast_in_dim3A_70, %max3A, %broadcast_in_dim3A_71 : vector<1280x128xi1>, vector<1280x128xf32>
      %reduce_max3A = arith.constant dense<0xFF800000> : vector<128xf32>
      %reduce_max3A_72 = vector.multi_reduction <maximumf>, %select_n3A, %reduce_max3A [0] : vector<1280x128xf32> to vector<128xf32>
      %broadcast_in_dim3A_73 = vector.shape_cast %reduce_max3A_72 : vector<128xf32> to vector<1x128xf32>
      %get3A_74 = arith.index_cast %while3A_66 : i32 to index
      %get3A_75 = arith.constant 0 : index
      %get3A_76 = vector.load %arg13[%get3A_74, %get3A_75] : memref<1024x128xf32, #tpu.memory_space<vmem>>, vector<1x128xf32>
      %max3A_77 = arith.maximumf %get3A_76, %broadcast_in_dim3A_73 : vector<1x128xf32>
      %swap3A = arith.index_cast %while3A_66 : i32 to index
      %swap3A_78 = arith.constant 0 : index
      %swap3A_79 = vector.load %arg13[%swap3A, %swap3A_78] : memref<1024x128xf32, #tpu.memory_space<vmem>>, vector<1x128xf32>
      tpu.vector_store %arg13[%swap3A, %swap3A_78], %max3A_77 {strides = array<i32>} : memref<1024x128xf32, #tpu.memory_space<vmem>>, vector<1x128xf32>,
      %while3A_80 = arith.constant 0 : i32
      scf.yield %while3A_80 : i32
    }
    %while3A_32 = arith.constant 1 : i32
    %while3A_33 = scf.for %while3A_66 = %while3A_29 to %while3A_25 step %while3A_32 iter_args(%while3A_67 = %while3A_31) -> (i32)  : i32 {
      %eq3A_68 = vector.broadcast %while3A_66 : i32 to vector<1280x1xi32>
      %eq3A_69 = arith.cmpi eq, %get3A_17, %eq3A_68 : vector<1280x1xi32>
      %jit3A = arith.constant 0xFF800000 : f32
      %broadcast_in_dim3A = vector.shape_cast %eq3A_69 : vector<1280x1xi1> to vector<1280x1xi1>
      %broadcast_in_dim3A_70 = vector.broadcast %broadcast_in_dim3A : vector<1280x1xi1> to vector<1280x128xi1>
      %broadcast_in_dim3A_71 = vector.broadcast %jit3A : f32 to vector<1280x128xf32>
      %select_n3A = arith.select %broadcast_in_dim3A_70, %max3A, %broadcast_in_dim3A_71 : vector<1280x128xi1>, vector<1280x128xf32>
      %reduce_max3A = arith.constant dense<0xFF800000> : vector<128xf32>
      %reduce_max3A_72 = vector.multi_reduction <maximumf>, %select_n3A, %reduce_max3A [0] : vector<1280x128xf32> to vector<128xf32>
      %broadcast_in_dim3A_73 = vector.shape_cast %reduce_max3A_72 : vector<128xf32> to vector<1x128xf32>
      %get3A_74 = arith.index_cast %while3A_66 : i32 to index
      %get3A_75 = arith.constant 0 : index
      %get3A_76 = vector.load %arg13[%get3A_74, %get3A_75] : memref<1024x128xf32, #tpu.memory_space<vmem>>, vector<1x128xf32>
      %max3A_77 = arith.maximumf %get3A_76, %broadcast_in_dim3A_73 : vector<1x128xf32>
      %swap3A = arith.index_cast %while3A_66 : i32 to index
      %swap3A_78 = arith.constant 0 : index
      %swap3A_79 = vector.load %arg13[%swap3A, %swap3A_78] : memref<1024x128xf32, #tpu.memory_space<vmem>>, vector<1x128xf32>
      tpu.vector_store %arg13[%swap3A, %swap3A_78], %max3A_77 {strides = array<i32>} : memref<1024x128xf32, #tpu.memory_space<vmem>>, vector<1x128xf32>,
      %while3A_80 = arith.constant 0 : i32
      scf.yield %while3A_80 : i32
    }
    %get3A_34 = arith.constant 0 : index
    %get3A_35 = arith.constant 0 : index
    %get3A_36 = vector.load %arg6[%get3A_34, %get3A_35] : memref<1280x128xf32, #tpu.memory_space<vmem>>, vector<1280x128xf32>
    %convert_element_type3A_37 = arith.truncf %get3A_36 : vector<1280x128xf32> to vector<1280x128xbf16>
    %get3A_38 = arith.constant 0 : index
    %get3A_39 = arith.constant 0 : index
    %get3A_40 = vector.load %arg11[%get3A_38, %get3A_39] : memref<128x128xbf16, #tpu.memory_space<vmem>>, vector<128x128xbf16>
    %dot_general3A_41 = arith.constant dense<0.000000e+00> : vector<1280x128xf32>
    %dot_general3A_42 = tpu.matmul %convert_element_type3A_37, %get3A_40, %dot_general3A_41 {dimension_numbers = #tpu.dot_dimension_numbers<[1], [0], [0], [1], [0, 0, 1, 1], [], []>, transpose_lhs_hint = false} : vector<1280x128xbf16>, vector<128x128xbf16>, vector<1280x128xf32> -> vector<1280x128xf32>
    %get3A_43 = arith.constant 0 : index
    %get3A_44 = arith.constant 0 : index
    %get3A_45 = vector.load %arg12[%get3A_43, %get3A_44] : memref<1x128xf32, #tpu.memory_space<vmem>>, vector<1x128xf32>
    %add3A_46 = vector.broadcast %get3A_45 : vector<1x128xf32> to vector<1280x128xf32>
    %add3A_47 = arith.addf %dot_general3A_42, %add3A_46 : vector<1280x128xf32>
    %mul3A_48 = arith.constant 1.000000e-01 : f32
    %mul3A_49 = vector.broadcast %mul3A_48 : f32 to vector<1280x128xf32>
    %mul3A_50 = arith.mulf %mul3A_49, %add3A_47 : vector<1280x128xf32>
    %max3A_51 = arith.maximumf %add3A_47, %mul3A_50 : vector<1280x128xf32>
    %get3A_52 = arith.constant 0 : index
    %get3A_53 = arith.constant 0 : index
    %get3A_54 = arith.constant 0 : index
    %get3A_55 = vector.load %arg8[%get3A_52, %get3A_53, %get3A_54] : memref<1x1x1280xi32, #tpu.memory_space<vmem>>, vector<1x1x1280xi32>
    %get3A_56 = vector.shape_cast %get3A_55 : vector<1x1x1280xi32> to vector<1x1280xi32>
    %get3A_57 = arith.index_cast %arg0 : i32 to index
    %get3A_58 = memref.load %arg3[%get3A_57] : memref<250xi32, #tpu.memory_space<smem>>
    %get3A_59 = arith.index_cast %arg0 : i32 to index
    %get3A_60 = memref.load %arg4[%get3A_59] : memref<250xi32, #tpu.memory_space<smem>>
    %min3A = arith.constant 992 : i32
    %min3A_61 = arith.minsi %get3A_58, %min3A : i32
    %sub3A = arith.subi %get3A_60, %get3A_58 : i32
    %lt3A = arith.constant 32 : i32
    %lt3A_62 = arith.cmpi slt, %sub3A, %lt3A : i32
    %convert_element_type3A_63 = arith.extui %lt3A_62 : i1 to i32
    %cond3A_64 = arith.constant 0 : i32
    %cond3A_65 = arith.cmpi ne, %convert_element_type3A_63, %cond3A_64 : i32
    scf.if %cond3A_65 {
      %iota3A = tpu.iota {dimensions = array<i32: 0>} : vector<32x1xi32>
      %add3A_66 = vector.broadcast %min3A_61 : i32 to vector<32x1xi32>
      %add3A_67 = arith.addi %iota3A, %add3A_66 : vector<32x1xi32>
      %eq3A_68 = vector.broadcast %add3A_67 : vector<32x1xi32> to vector<32x1280xi32>
      %eq3A_69 = vector.broadcast %get3A_56 : vector<1x1280xi32> to vector<32x1280xi32>
      %eq3A_70 = arith.cmpi eq, %eq3A_68, %eq3A_69 : vector<32x1280xi32>
      %convert_element_type3A_71 = arith.extui %eq3A_70 : vector<32x1280xi1> to vector<32x1280xi32>
      %convert_element_type3A_72 = arith.sitofp %convert_element_type3A_71 : vector<32x1280xi32> to vector<32x1280xf32>
      %convert_element_type3A_73 = arith.truncf %convert_element_type3A_72 : vector<32x1280xf32> to vector<32x1280xbf16>
      %convert_element_type3A_74 = arith.truncf %max3A_51 : vector<1280x128xf32> to vector<1280x128xbf16>
      %convert_element_type3A_75 = arith.extf %convert_element_type3A_74 : vector<1280x128xbf16> to vector<1280x128xf32>
      %sub3A_76 = arith.subf %max3A_51, %convert_element_type3A_75 : vector<1280x128xf32>
      %convert_element_type3A_77 = arith.truncf %sub3A_76 : vector<1280x128xf32> to vector<1280x128xbf16>
      %convert_element_type3A_78 = arith.extf %convert_element_type3A_77 : vector<1280x128xbf16> to vector<1280x128xf32>
      %sub3A_79 = arith.subf %sub3A_76, %convert_element_type3A_78 : vector<1280x128xf32>
      %convert_element_type3A_80 = arith.truncf %sub3A_79 : vector<1280x128xf32> to vector<1280x128xbf16>
      %dot_general3A_81 = arith.constant dense<0.000000e+00> : vector<32x128xf32>
      %dot_general3A_82 = tpu.matmul %convert_element_type3A_73, %convert_element_type3A_74, %dot_general3A_81 {dimension_numbers = #tpu.dot_dimension_numbers<[1], [0], [0], [1], [0, 0, 1, 1], [], []>, transpose_lhs_hint = false} : vector<32x1280xbf16>, vector<1280x128xbf16>, vector<32x128xf32> -> vector<32x128xf32>
      %dot_general3A_83 = arith.constant dense<0.000000e+00> : vector<32x128xf32>
      %dot_general3A_84 = tpu.matmul %convert_element_type3A_73, %convert_element_type3A_77, %dot_general3A_83 {dimension_numbers = #tpu.dot_dimension_numbers<[1], [0], [0], [1], [0, 0, 1, 1], [], []>, transpose_lhs_hint = false} : vector<32x1280xbf16>, vector<1280x128xbf16>, vector<32x128xf32> -> vector<32x128xf32>
      %add3A_85 = arith.addf %dot_general3A_82, %dot_general3A_84 : vector<32x128xf32>
      %dot_general3A_86 = arith.constant dense<0.000000e+00> : vector<32x128xf32>
      %dot_general3A_87 = tpu.matmul %convert_element_type3A_73, %convert_element_type3A_80, %dot_general3A_86 {dimension_numbers = #tpu.dot_dimension_numbers<[1], [0], [0], [1], [0, 0, 1, 1], [], []>, transpose_lhs_hint = false} : vector<32x1280xbf16>, vector<1280x128xbf16>, vector<32x128xf32> -> vector<32x128xf32>
      %add3A_88 = arith.addf %add3A_85, %dot_general3A_87 : vector<32x128xf32>
      %get3A_89 = arith.index_cast %min3A_61 : i32 to index
      %get3A_90 = arith.constant 0 : index
      %get3A_91 = vector.load %arg14[%get3A_89, %get3A_90] : memref<1024x128xf32, #tpu.memory_space<vmem>>, vector<32x128xf32>
      %add3A_92 = arith.addf %get3A_91, %add3A_88 : vector<32x128xf32>
      %swap3A = arith.index_cast %min3A_61 : i32 to index
      %swap3A_93 = arith.constant 0 : index
      %swap3A_94 = vector.load %arg14[%swap3A, %swap3A_93] : memref<1024x128xf32, #tpu.memory_space<vmem>>, vector<32x128xf32>
      tpu.vector_store %arg14[%swap3A, %swap3A_93], %add3A_92 {strides = array<i32>} : memref<1024x128xf32, #tpu.memory_space<vmem>>, vector<32x128xf32>,
    } else {
      %add3A_66 = arith.constant 1 : i32
      %add3A_67 = arith.addi %get3A_60, %add3A_66 : i32
      %while3A_68 = arith.constant 0 : i32
      %while3A_69 = arith.subi %add3A_67, %get3A_58 : i32
      %while3A_70 = arith.addi %get3A_58, %while3A_69 : i32
      %while3A_71 = arith.constant 1 : i32
      %while3A_72 = arith.divsi %while3A_69, %while3A_71 : i32
      %while3A_73 = arith.muli %while3A_72, %while3A_71 : i32
      %while3A_74 = arith.addi %get3A_58, %while3A_73 : i32
      %while3A_75 = arith.constant 1 : i32
      %while3A_76 = scf.for %while3A_79 = %get3A_58 to %while3A_74 step %while3A_75 iter_args(%while3A_80 = %while3A_68) -> (i32)  : i32 {
        %reshape3A = vector.shape_cast %get3A_56 : vector<1x1280xi32> to vector<1280x1xi32>
        %eq3A_81 = vector.broadcast %while3A_79 : i32 to vector<1280x1xi32>
        %eq3A_82 = arith.cmpi eq, %reshape3A, %eq3A_81 : vector<1280x1xi32>
        %jit3A = arith.constant 0.000000e+00 : f32
        %broadcast_in_dim3A = vector.shape_cast %eq3A_82 : vector<1280x1xi1> to vector<1280x1xi1>
        %broadcast_in_dim3A_83 = vector.broadcast %broadcast_in_dim3A : vector<1280x1xi1> to vector<1280x128xi1>
        %broadcast_in_dim3A_84 = vector.broadcast %jit3A : f32 to vector<1280x128xf32>
        %select_n3A = arith.select %broadcast_in_dim3A_83, %max3A_51, %broadcast_in_dim3A_84 : vector<1280x128xi1>, vector<1280x128xf32>
        %reduce_sum3A = arith.constant dense<0.000000e+00> : vector<128xf32>
        %reduce_sum3A_85 = vector.multi_reduction <add>, %select_n3A, %reduce_sum3A [0] : vector<1280x128xf32> to vector<128xf32>
        %broadcast_in_dim3A_86 = vector.shape_cast %reduce_sum3A_85 : vector<128xf32> to vector<1x128xf32>
        %get3A_87 = arith.index_cast %while3A_79 : i32 to index
        %get3A_88 = arith.constant 0 : index
        %get3A_89 = vector.load %arg14[%get3A_87, %get3A_88] : memref<1024x128xf32, #tpu.memory_space<vmem>>, vector<1x128xf32>
        %add3A_90 = arith.addf %get3A_89, %broadcast_in_dim3A_86 : vector<1x128xf32>
        %swap3A = arith.index_cast %while3A_79 : i32 to index
        %swap3A_91 = arith.constant 0 : index
        %swap3A_92 = vector.load %arg14[%swap3A, %swap3A_91] : memref<1024x128xf32, #tpu.memory_space<vmem>>, vector<1x128xf32>
        tpu.vector_store %arg14[%swap3A, %swap3A_91], %add3A_90 {strides = array<i32>} : memref<1024x128xf32, #tpu.memory_space<vmem>>, vector<1x128xf32>,
        %while3A_93 = arith.constant 0 : i32
        scf.yield %while3A_93 : i32
      }
      %while3A_77 = arith.constant 1 : i32
      %while3A_78 = scf.for %while3A_79 = %while3A_74 to %while3A_70 step %while3A_77 iter_args(%while3A_80 = %while3A_76) -> (i32)  : i32 {
        %reshape3A = vector.shape_cast %get3A_56 : vector<1x1280xi32> to vector<1280x1xi32>
        %eq3A_81 = vector.broadcast %while3A_79 : i32 to vector<1280x1xi32>
        %eq3A_82 = arith.cmpi eq, %reshape3A, %eq3A_81 : vector<1280x1xi32>
        %jit3A = arith.constant 0.000000e+00 : f32
        %broadcast_in_dim3A = vector.shape_cast %eq3A_82 : vector<1280x1xi1> to vector<1280x1xi1>
        %broadcast_in_dim3A_83 = vector.broadcast %broadcast_in_dim3A : vector<1280x1xi1> to vector<1280x128xi1>
        %broadcast_in_dim3A_84 = vector.broadcast %jit3A : f32 to vector<1280x128xf32>
        %select_n3A = arith.select %broadcast_in_dim3A_83, %max3A_51, %broadcast_in_dim3A_84 : vector<1280x128xi1>, vector<1280x128xf32>
        %reduce_sum3A = arith.constant dense<0.000000e+00> : vector<128xf32>
        %reduce_sum3A_85 = vector.multi_reduction <add>, %select_n3A, %reduce_sum3A [0] : vector<1280x128xf32> to vector<128xf32>
        %broadcast_in_dim3A_86 = vector.shape_cast %reduce_sum3A_85 : vector<128xf32> to vector<1x128xf32>
        %get3A_87 = arith.index_cast %while3A_79 : i32 to index
        %get3A_88 = arith.constant 0 : index
        %get3A_89 = vector.load %arg14[%get3A_87, %get3A_88] : memref<1024x128xf32, #tpu.memory_space<vmem>>, vector<1x128xf32>
        %add3A_90 = arith.addf %get3A_89, %broadcast_in_dim3A_86 : vector<1x128xf32>
        %swap3A = arith.index_cast %while3A_79 : i32 to index
        %swap3A_91 = arith.constant 0 : index
        %swap3A_92 = vector.load %arg14[%swap3A, %swap3A_91] : memref<1024x128xf32, #tpu.memory_space<vmem>>, vector<1x128xf32>
        tpu.vector_store %arg14[%swap3A, %swap3A_91], %add3A_90 {strides = array<i32>} : memref<1024x128xf32, #tpu.memory_space<vmem>>, vector<1x128xf32>,
        %while3A_93 = arith.constant 0 : i32
        scf.yield %while3A_93 : i32
      }
    }
    return
  }
  func.func @transform_0(%arg0: i32, %arg1: memref<250xi32, #tpu.memory_space<smem>>, %arg2: memref<250xi32, #tpu.memory_space<smem>>, %arg3: memref<250xi32, #tpu.memory_space<smem>>, %arg4: memref<250xi32, #tpu.memory_space<smem>>) -> (i32, i32) {
    %c0_i32 = arith.constant 0 : i32
    %c0_i32_0 = arith.constant 0 : i32
    return %arg0, %c0_i32 : i32, i32
  }
  func.func @transform_1(%arg0: i32, %arg1: memref<250xi32, #tpu.memory_space<smem>>, %arg2: memref<250xi32, #tpu.memory_space<smem>>, %arg3: memref<250xi32, #tpu.memory_space<smem>>, %arg4: memref<250xi32, #tpu.memory_space<smem>>) -> (i32, i32) {
    %c0_i32 = arith.constant 0 : i32
    %c0_i32_0 = arith.constant 0 : i32
    return %arg0, %c0_i32 : i32, i32
  }
  func.func @transform_2(%arg0: i32, %arg1: memref<250xi32, #tpu.memory_space<smem>>, %arg2: memref<250xi32, #tpu.memory_space<smem>>, %arg3: memref<250xi32, #tpu.memory_space<smem>>, %arg4: memref<250xi32, #tpu.memory_space<smem>>) -> (i32, i32) {
    %c0_i32 = arith.constant 0 : i32
    %c0_i32_0 = arith.constant 0 : i32
    return %arg0, %c0_i32 : i32, i32
  }
  func.func @transform_3(%arg0: i32, %arg1: memref<250xi32, #tpu.memory_space<smem>>, %arg2: memref<250xi32, #tpu.memory_space<smem>>, %arg3: memref<250xi32, #tpu.memory_space<smem>>, %arg4: memref<250xi32, #tpu.memory_space<smem>>) -> (i32, i32, i32) {
    %c0_i32 = arith.constant 0 : i32
    %c0_i32_0 = arith.constant 0 : i32
    %c0_i32_1 = arith.constant 0 : i32
    return %arg0, %c0_i32, %c0_i32_0 : i32, i32, i32
  }
  func.func @transform_4(%arg0: i32, %arg1: memref<250xi32, #tpu.memory_space<smem>>, %arg2: memref<250xi32, #tpu.memory_space<smem>>, %arg3: memref<250xi32, #tpu.memory_space<smem>>, %arg4: memref<250xi32, #tpu.memory_space<smem>>) -> (i32, i32) {
    %c0_i32 = arith.constant 0 : i32
    %c0_i32_0 = arith.constant 0 : i32
    %c0_i32_1 = arith.constant 0 : i32
    return %c0_i32, %c0_i32_0 : i32, i32
  }
  func.func @transform_5(%arg0: i32, %arg1: memref<250xi32, #tpu.memory_space<smem>>, %arg2: memref<250xi32, #tpu.memory_space<smem>>, %arg3: memref<250xi32, #tpu.memory_space<smem>>, %arg4: memref<250xi32, #tpu.memory_space<smem>>) -> (i32, i32) {
    %c0_i32 = arith.constant 0 : i32
    %c0_i32_0 = arith.constant 0 : i32
    %c0_i32_1 = arith.constant 0 : i32
    return %c0_i32, %c0_i32_0 : i32, i32
  }
  func.func @transform_6(%arg0: i32, %arg1: memref<250xi32, #tpu.memory_space<smem>>, %arg2: memref<250xi32, #tpu.memory_space<smem>>, %arg3: memref<250xi32, #tpu.memory_space<smem>>, %arg4: memref<250xi32, #tpu.memory_space<smem>>) -> (i32, i32) {
    %c0_i32 = arith.constant 0 : i32
    %c0_i32_0 = arith.constant 0 : i32
    %c0_i32_1 = arith.constant 0 : i32
    return %c0_i32, %c0_i32_0 : i32, i32
  }
  func.func @transform_7(%arg0: i32, %arg1: memref<250xi32, #tpu.memory_space<smem>>, %arg2: memref<250xi32, #tpu.memory_space<smem>>, %arg3: memref<250xi32, #tpu.memory_space<smem>>, %arg4: memref<250xi32, #tpu.memory_space<smem>>) -> (i32, i32) {
    %c0_i32 = arith.constant 0 : i32
    %c0_i32_0 = arith.constant 0 : i32
    %c0_i32_1 = arith.constant 0 : i32
    return %c0_i32, %c0_i32_0 : i32, i32
  }
  func.func @transform_8(%arg0: i32, %arg1: memref<250xi32, #tpu.memory_space<smem>>, %arg2: memref<250xi32, #tpu.memory_space<smem>>, %arg3: memref<250xi32, #tpu.memory_space<smem>>, %arg4: memref<250xi32, #tpu.memory_space<smem>>) -> (i32, i32) {
    %c0_i32 = arith.constant 0 : i32
    %c0_i32_0 = arith.constant 0 : i32
    %c0_i32_1 = arith.constant 0 : i32
    return %c0_i32, %c0_i32_0 : i32, i32
  }
  func.func @transform_9(%arg0: i32, %arg1: memref<250xi32, #tpu.memory_space<smem>>, %arg2: memref<250xi32, #tpu.memory_space<smem>>, %arg3: memref<250xi32, #tpu.memory_space<smem>>, %arg4: memref<250xi32, #tpu.memory_space<smem>>) -> (i32, i32) {
    %c0_i32 = arith.constant 0 : i32
    %c0_i32_0 = arith.constant 0 : i32
    %c0_i32_1 = arith.constant 0 : i32
    return %c0_i32, %c0_i32_0 : i32, i32
  }
}

module attributes {stable_mosaic.version = 14 : i64} {
  func.func @_main_kernel(%arg0: i32, %arg1: memref<250xi32, #tpu.memory_space<smem>>, %arg2: memref<250xi32, #tpu.memory_space<smem>>, %arg3: memref<1280x128xf32, #tpu.memory_space<vmem>>, %arg4: memref<1280x1xi32, #tpu.memory_space<vmem>>, %arg5: memref<1x1x1280xi32, #tpu.memory_space<vmem>>, %arg6: memref<128x128xbf16, #tpu.memory_space<vmem>>, %arg7: memref<1x128xf32, #tpu.memory_space<vmem>>, %arg8: memref<128x128xbf16, #tpu.memory_space<vmem>>, %arg9: memref<128x128xbf16, #tpu.memory_space<vmem>>, %arg10: memref<128x128xbf16, #tpu.memory_space<vmem>>, %arg11: memref<1x128xf32, #tpu.memory_space<vmem>>, %arg12: memref<128x128xbf16, #tpu.memory_space<vmem>>, %arg13: memref<1x128xf32, #tpu.memory_space<vmem>>, %arg14: memref<128x128xbf16, #tpu.memory_space<vmem>>, %arg15: memref<128x128xbf16, #tpu.memory_space<vmem>>, %arg16: memref<128x128xbf16, #tpu.memory_space<vmem>>, %arg17: memref<1x128xf32, #tpu.memory_space<vmem>>, %arg18: memref<1x128xbf16, #tpu.memory_space<vmem>>, %arg19: memref<1x1xf32, #tpu.memory_space<vmem>>, %arg20: memref<1024x128xf32, #tpu.memory_space<vmem>>, %arg21: memref<1024x128xf32, #tpu.memory_space<vmem>>, %arg22: memref<1x1x1280xf32, #tpu.memory_space<vmem>>, %arg23: memref<1024x128xf32, #tpu.memory_space<vmem>>, %arg24: memref<1024x128xf32, #tpu.memory_space<vmem>>, %arg25: memref<1024x128xf32, #tpu.memory_space<vmem>>, %arg26: memref<1024x128xf32, #tpu.memory_space<vmem>>, %arg27: memref<1024x128xf32, #tpu.memory_space<vmem>>, %arg28: memref<1280x128xf32, #tpu.memory_space<vmem>>, %arg29: memref<1280x128xf32, #tpu.memory_space<vmem>>, %arg30: memref<1024x128xf32, #tpu.memory_space<vmem>>, %arg31: memref<1024x128xf32, #tpu.memory_space<vmem>>, %arg32: memref<1024x128xf32, #tpu.memory_space<vmem>>) attributes {dimension_semantics = [#tpu.dimension_semantics<arbitrary>], iteration_bounds = array<i64: 250>, scalar_prefetch = 2 : i64, scratch_operands = 7 : i64, tpu.core_type = #tpu.core_type<tc>, window_params = [{transform_indices = @transform_0, window_bounds = array<i64: 1280, 128>}, {transform_indices = @transform_1, window_bounds = array<i64: 1280, 1>}, {transform_indices = @transform_2, window_bounds = array<i64: 1, 1, 1280>}, {pipeline_mode = #tpu.pipeline_mode<synchronous>, transform_indices = @transform_3, window_bounds = array<i64: 128, 128>}, {pipeline_mode = #tpu.pipeline_mode<synchronous>, transform_indices = @transform_4, window_bounds = array<i64: 1, 128>}, {pipeline_mode = #tpu.pipeline_mode<synchronous>, transform_indices = @transform_5, window_bounds = array<i64: 128, 128>}, {pipeline_mode = #tpu.pipeline_mode<synchronous>, transform_indices = @transform_6, window_bounds = array<i64: 128, 128>}, {pipeline_mode = #tpu.pipeline_mode<synchronous>, transform_indices = @transform_7, window_bounds = array<i64: 128, 128>}, {pipeline_mode = #tpu.pipeline_mode<synchronous>, transform_indices = @transform_8, window_bounds = array<i64: 1, 128>}, {pipeline_mode = #tpu.pipeline_mode<synchronous>, transform_indices = @transform_9, window_bounds = array<i64: 128, 128>}, {pipeline_mode = #tpu.pipeline_mode<synchronous>, transform_indices = @transform_10, window_bounds = array<i64: 1, 128>}, {pipeline_mode = #tpu.pipeline_mode<synchronous>, transform_indices = @transform_11, window_bounds = array<i64: 128, 128>}, {pipeline_mode = #tpu.pipeline_mode<synchronous>, transform_indices = @transform_12, window_bounds = array<i64: 128, 128>}, {pipeline_mode = #tpu.pipeline_mode<synchronous>, transform_indices = @transform_13, window_bounds = array<i64: 128, 128>}, {pipeline_mode = #tpu.pipeline_mode<synchronous>, transform_indices = @transform_14, window_bounds = array<i64: 1, 128>}, {pipeline_mode = #tpu.pipeline_mode<synchronous>, transform_indices = @transform_15, window_bounds = array<i64: 1, 128>}, {pipeline_mode = #tpu.pipeline_mode<synchronous>, transform_indices = @transform_16, window_bounds = array<i64: 1, 1>}, {pipeline_mode = #tpu.pipeline_mode<synchronous>, transform_indices = @transform_17, window_bounds = array<i64: 1024, 128>}, {pipeline_mode = #tpu.pipeline_mode<synchronous>, transform_indices = @transform_18, window_bounds = array<i64: 1024, 128>}, {transform_indices = @transform_19, window_bounds = array<i64: 1, 1, 1280>}, {pipeline_mode = #tpu.pipeline_mode<synchronous>, transform_indices = @transform_20, window_bounds = array<i64: 1024, 128>}, {pipeline_mode = #tpu.pipeline_mode<synchronous>, transform_indices = @transform_21, window_bounds = array<i64: 1024, 128>}, {pipeline_mode = #tpu.pipeline_mode<synchronous>, transform_indices = @transform_22, window_bounds = array<i64: 1024, 128>}]} {
    %get3A = arith.index_cast %arg0 : i32 to index
    %get3A_0 = memref.load %arg1[%get3A] : memref<250xi32, #tpu.memory_space<smem>>
    %get3A_1 = arith.index_cast %arg0 : i32 to index
    %get3A_2 = memref.load %arg2[%get3A_1] : memref<250xi32, #tpu.memory_space<smem>>
    %eq3A = arith.constant 0 : i32
    %eq3A_3 = arith.cmpi eq, %arg0, %eq3A : i32
    %convert_element_type3A = arith.extui %eq3A_3 : i1 to i32
    %cond3A = arith.constant 0 : i32
    %cond3A_4 = arith.cmpi ne, %convert_element_type3A, %cond3A : i32
    scf.if %cond3A_4 {
      %get3A_93 = arith.constant 0 : index
      %get3A_94 = arith.constant 0 : index
      %get3A_95 = vector.load %arg20[%get3A_93, %get3A_94] : memref<1024x128xf32, #tpu.memory_space<vmem>>, vector<1024x128xf32>
      %convert_element_type3A_96 = arith.truncf %get3A_95 : vector<1024x128xf32> to vector<1024x128xbf16>
      %get3A_97 = arith.constant 0 : index
      %get3A_98 = arith.constant 0 : index
      %get3A_99 = vector.load %arg21[%get3A_97, %get3A_98] : memref<1024x128xf32, #tpu.memory_space<vmem>>, vector<1024x128xf32>
      %convert_element_type3A_100 = arith.truncf %get3A_99 : vector<1024x128xf32> to vector<1024x128xbf16>
      %get3A_101 = arith.constant 0 : index
      %get3A_102 = arith.constant 0 : index
      %get3A_103 = vector.load %arg9[%get3A_101, %get3A_102] : memref<128x128xbf16, #tpu.memory_space<vmem>>, vector<128x128xbf16>
      %dot_general3A_104 = arith.constant dense<0.000000e+00> : vector<1024x128xf32>
      %dot_general3A_105 = tpu.matmul %convert_element_type3A_96, %get3A_103, %dot_general3A_104 {dimension_numbers = #tpu.dot_dimension_numbers<[1], [0], [0], [1], [0, 0, 1, 1], [], []>, transpose_lhs_hint = false} : vector<1024x128xbf16>, vector<128x128xbf16>, vector<1024x128xf32> -> vector<1024x128xf32>
      %get3A_106 = arith.constant 0 : index
      %get3A_107 = arith.constant 0 : index
      %get3A_108 = vector.load %arg10[%get3A_106, %get3A_107] : memref<128x128xbf16, #tpu.memory_space<vmem>>, vector<128x128xbf16>
      %dot_general3A_109 = arith.constant dense<0.000000e+00> : vector<1024x128xf32>
      %dot_general3A_110 = tpu.matmul %convert_element_type3A_100, %get3A_108, %dot_general3A_109 {dimension_numbers = #tpu.dot_dimension_numbers<[1], [0], [0], [1], [0, 0, 1, 1], [], []>, transpose_lhs_hint = false} : vector<1024x128xbf16>, vector<128x128xbf16>, vector<1024x128xf32> -> vector<1024x128xf32>
      %add3A_111 = arith.addf %dot_general3A_105, %dot_general3A_110 : vector<1024x128xf32>
      %get3A_112 = arith.constant 0 : index
      %get3A_113 = arith.constant 0 : index
      %get3A_114 = vector.load %arg11[%get3A_112, %get3A_113] : memref<1x128xf32, #tpu.memory_space<vmem>>, vector<1x128xf32>
      %add3A_115 = vector.broadcast %get3A_114 : vector<1x128xf32> to vector<1024x128xf32>
      %add3A_116 = arith.addf %add3A_111, %add3A_115 : vector<1024x128xf32>
      %swap3A_117 = arith.constant 0 : index
      %swap3A_118 = arith.constant 0 : index
      %swap3A_119 = vector.load %arg26[%swap3A_117, %swap3A_118] : memref<1024x128xf32, #tpu.memory_space<vmem>>, vector<1024x128xf32>
      tpu.vector_store %arg26[%swap3A_117, %swap3A_118], %add3A_116 {strides = array<i32>} : memref<1024x128xf32, #tpu.memory_space<vmem>>, vector<1024x128xf32>,
      %get3A_120 = arith.constant 0 : index
      %get3A_121 = arith.constant 0 : index
      %get3A_122 = vector.load %arg15[%get3A_120, %get3A_121] : memref<128x128xbf16, #tpu.memory_space<vmem>>, vector<128x128xbf16>
      %dot_general3A_123 = arith.constant dense<0.000000e+00> : vector<1024x128xf32>
      %dot_general3A_124 = tpu.matmul %convert_element_type3A_96, %get3A_122, %dot_general3A_123 {dimension_numbers = #tpu.dot_dimension_numbers<[1], [0], [0], [1], [0, 0, 1, 1], [], []>, transpose_lhs_hint = false} : vector<1024x128xbf16>, vector<128x128xbf16>, vector<1024x128xf32> -> vector<1024x128xf32>
      %get3A_125 = arith.constant 0 : index
      %get3A_126 = arith.constant 0 : index
      %get3A_127 = vector.load %arg16[%get3A_125, %get3A_126] : memref<128x128xbf16, #tpu.memory_space<vmem>>, vector<128x128xbf16>
      %dot_general3A_128 = arith.constant dense<0.000000e+00> : vector<1024x128xf32>
      %dot_general3A_129 = tpu.matmul %convert_element_type3A_100, %get3A_127, %dot_general3A_128 {dimension_numbers = #tpu.dot_dimension_numbers<[1], [0], [0], [1], [0, 0, 1, 1], [], []>, transpose_lhs_hint = false} : vector<1024x128xbf16>, vector<128x128xbf16>, vector<1024x128xf32> -> vector<1024x128xf32>
      %add3A_130 = arith.addf %dot_general3A_124, %dot_general3A_129 : vector<1024x128xf32>
      %get3A_131 = arith.constant 0 : index
      %get3A_132 = arith.constant 0 : index
      %get3A_133 = vector.load %arg17[%get3A_131, %get3A_132] : memref<1x128xf32, #tpu.memory_space<vmem>>, vector<1x128xf32>
      %add3A_134 = vector.broadcast %get3A_133 : vector<1x128xf32> to vector<1024x128xf32>
      %add3A_135 = arith.addf %add3A_130, %add3A_134 : vector<1024x128xf32>
      %swap3A_136 = arith.constant 0 : index
      %swap3A_137 = arith.constant 0 : index
      %swap3A_138 = vector.load %arg27[%swap3A_136, %swap3A_137] : memref<1024x128xf32, #tpu.memory_space<vmem>>, vector<1024x128xf32>
      tpu.vector_store %arg27[%swap3A_136, %swap3A_137], %add3A_135 {strides = array<i32>} : memref<1024x128xf32, #tpu.memory_space<vmem>>, vector<1024x128xf32>,
      %broadcast_in_dim3A = arith.constant 0.000000e+00 : f32
      %broadcast_in_dim3A_139 = vector.broadcast %broadcast_in_dim3A : f32 to vector<1024x128xf32>
      %swap3A_140 = arith.constant 0 : index
      %swap3A_141 = arith.constant 0 : index
      %swap3A_142 = vector.load %arg30[%swap3A_140, %swap3A_141] : memref<1024x128xf32, #tpu.memory_space<vmem>>, vector<1024x128xf32>
      tpu.vector_store %arg30[%swap3A_140, %swap3A_141], %broadcast_in_dim3A_139 {strides = array<i32>} : memref<1024x128xf32, #tpu.memory_space<vmem>>, vector<1024x128xf32>,
      %broadcast_in_dim3A_143 = arith.constant 0xFF800000 : f32
      %broadcast_in_dim3A_144 = vector.broadcast %broadcast_in_dim3A_143 : f32 to vector<1024x128xf32>
      %swap3A_145 = arith.constant 0 : index
      %swap3A_146 = arith.constant 0 : index
      %swap3A_147 = vector.load %arg31[%swap3A_145, %swap3A_146] : memref<1024x128xf32, #tpu.memory_space<vmem>>, vector<1024x128xf32>
      tpu.vector_store %arg31[%swap3A_145, %swap3A_146], %broadcast_in_dim3A_144 {strides = array<i32>} : memref<1024x128xf32, #tpu.memory_space<vmem>>, vector<1024x128xf32>,
      %broadcast_in_dim3A_148 = arith.constant 0.000000e+00 : f32
      %broadcast_in_dim3A_149 = vector.broadcast %broadcast_in_dim3A_148 : f32 to vector<1024x128xf32>
      %swap3A_150 = arith.constant 0 : index
      %swap3A_151 = arith.constant 0 : index
      %swap3A_152 = vector.load %arg32[%swap3A_150, %swap3A_151] : memref<1024x128xf32, #tpu.memory_space<vmem>>, vector<1024x128xf32>
      tpu.vector_store %arg32[%swap3A_150, %swap3A_151], %broadcast_in_dim3A_149 {strides = array<i32>} : memref<1024x128xf32, #tpu.memory_space<vmem>>, vector<1024x128xf32>,
    } else {
    }
    %get3A_5 = arith.constant 0 : index
    %get3A_6 = arith.constant 0 : index
    %get3A_7 = vector.load %arg4[%get3A_5, %get3A_6] : memref<1280x1xi32, #tpu.memory_space<vmem>>, vector<1280x1xi32>
    %get3A_8 = arith.constant 0 : index
    %get3A_9 = arith.constant 0 : index
    %get3A_10 = arith.constant 0 : index
    %get3A_11 = vector.load %arg5[%get3A_8, %get3A_9, %get3A_10] : memref<1x1x1280xi32, #tpu.memory_space<vmem>>, vector<1x1x1280xi32>
    %get3A_12 = vector.shape_cast %get3A_11 : vector<1x1x1280xi32> to vector<1x1280xi32>
    %min3A = arith.constant 992 : i32
    %min3A_13 = arith.minsi %get3A_0, %min3A : i32
    %sub3A = arith.subi %get3A_2, %get3A_0 : i32
    %lt3A = arith.constant 32 : i32
    %lt3A_14 = arith.cmpi slt, %sub3A, %lt3A : i32
    %convert_element_type3A_15 = arith.extui %lt3A_14 : i1 to i32
    %cond3A_16 = arith.constant 0 : i32
    %cond3A_17 = arith.cmpi ne, %convert_element_type3A_15, %cond3A_16 : i32
    scf.if %cond3A_17 {
      %sub3A_93 = vector.broadcast %min3A_13 : i32 to vector<1280x1xi32>
      %sub3A_94 = arith.subi %get3A_7, %sub3A_93 : vector<1280x1xi32>
      %iota3A = tpu.iota {dimensions = array<i32: 1>} : vector<1x32xi32>
      %eq3A_95 = vector.broadcast %sub3A_94 : vector<1280x1xi32> to vector<1280x32xi32>
      %eq3A_96 = vector.broadcast %iota3A : vector<1x32xi32> to vector<1280x32xi32>
      %eq3A_97 = arith.cmpi eq, %eq3A_95, %eq3A_96 : vector<1280x32xi32>
      %convert_element_type3A_98 = arith.extui %eq3A_97 : vector<1280x32xi1> to vector<1280x32xi32>
      %convert_element_type3A_99 = arith.sitofp %convert_element_type3A_98 : vector<1280x32xi32> to vector<1280x32xf32>
      %convert_element_type3A_100 = arith.truncf %convert_element_type3A_99 : vector<1280x32xf32> to vector<1280x32xbf16>
      %get3A_101 = arith.index_cast %min3A_13 : i32 to index
      %get3A_102 = arith.constant 0 : index
      %get3A_103 = vector.load %arg26[%get3A_101, %get3A_102] : memref<1024x128xf32, #tpu.memory_space<vmem>>, vector<32x128xf32>
      %convert_element_type3A_104 = arith.truncf %get3A_103 : vector<32x128xf32> to vector<32x128xbf16>
      %convert_element_type3A_105 = arith.extf %convert_element_type3A_104 : vector<32x128xbf16> to vector<32x128xf32>
      %sub3A_106 = arith.subf %get3A_103, %convert_element_type3A_105 : vector<32x128xf32>
      %convert_element_type3A_107 = arith.truncf %sub3A_106 : vector<32x128xf32> to vector<32x128xbf16>
      %convert_element_type3A_108 = arith.extf %convert_element_type3A_107 : vector<32x128xbf16> to vector<32x128xf32>
      %sub3A_109 = arith.subf %sub3A_106, %convert_element_type3A_108 : vector<32x128xf32>
      %convert_element_type3A_110 = arith.truncf %sub3A_109 : vector<32x128xf32> to vector<32x128xbf16>
      %dot_general3A_111 = arith.constant dense<0.000000e+00> : vector<1280x128xf32>
      %dot_general3A_112 = tpu.matmul %convert_element_type3A_100, %convert_element_type3A_104, %dot_general3A_111 {dimension_numbers = #tpu.dot_dimension_numbers<[1], [0], [0], [1], [0, 0, 1, 1], [], []>, transpose_lhs_hint = false} : vector<1280x32xbf16>, vector<32x128xbf16>, vector<1280x128xf32> -> vector<1280x128xf32>
      %dot_general3A_113 = arith.constant dense<0.000000e+00> : vector<1280x128xf32>
      %dot_general3A_114 = tpu.matmul %convert_element_type3A_100, %convert_element_type3A_107, %dot_general3A_113 {dimension_numbers = #tpu.dot_dimension_numbers<[1], [0], [0], [1], [0, 0, 1, 1], [], []>, transpose_lhs_hint = false} : vector<1280x32xbf16>, vector<32x128xbf16>, vector<1280x128xf32> -> vector<1280x128xf32>
      %add3A_115 = arith.addf %dot_general3A_112, %dot_general3A_114 : vector<1280x128xf32>
      %dot_general3A_116 = arith.constant dense<0.000000e+00> : vector<1280x128xf32>
      %dot_general3A_117 = tpu.matmul %convert_element_type3A_100, %convert_element_type3A_110, %dot_general3A_116 {dimension_numbers = #tpu.dot_dimension_numbers<[1], [0], [0], [1], [0, 0, 1, 1], [], []>, transpose_lhs_hint = false} : vector<1280x32xbf16>, vector<32x128xbf16>, vector<1280x128xf32> -> vector<1280x128xf32>
      %add3A_118 = arith.addf %add3A_115, %dot_general3A_117 : vector<1280x128xf32>
      %swap3A_119 = arith.constant 0 : index
      %swap3A_120 = arith.constant 0 : index
      %swap3A_121 = vector.load %arg28[%swap3A_119, %swap3A_120] : memref<1280x128xf32, #tpu.memory_space<vmem>>, vector<1280x128xf32>
      tpu.vector_store %arg28[%swap3A_119, %swap3A_120], %add3A_118 {strides = array<i32>} : memref<1280x128xf32, #tpu.memory_space<vmem>>, vector<1280x128xf32>,
      %get3A_122 = arith.index_cast %min3A_13 : i32 to index
      %get3A_123 = arith.constant 0 : index
      %get3A_124 = vector.load %arg27[%get3A_122, %get3A_123] : memref<1024x128xf32, #tpu.memory_space<vmem>>, vector<32x128xf32>
      %convert_element_type3A_125 = arith.truncf %get3A_124 : vector<32x128xf32> to vector<32x128xbf16>
      %convert_element_type3A_126 = arith.extf %convert_element_type3A_125 : vector<32x128xbf16> to vector<32x128xf32>
      %sub3A_127 = arith.subf %get3A_124, %convert_element_type3A_126 : vector<32x128xf32>
      %convert_element_type3A_128 = arith.truncf %sub3A_127 : vector<32x128xf32> to vector<32x128xbf16>
      %convert_element_type3A_129 = arith.extf %convert_element_type3A_128 : vector<32x128xbf16> to vector<32x128xf32>
      %sub3A_130 = arith.subf %sub3A_127, %convert_element_type3A_129 : vector<32x128xf32>
      %convert_element_type3A_131 = arith.truncf %sub3A_130 : vector<32x128xf32> to vector<32x128xbf16>
      %dot_general3A_132 = arith.constant dense<0.000000e+00> : vector<1280x128xf32>
      %dot_general3A_133 = tpu.matmul %convert_element_type3A_100, %convert_element_type3A_125, %dot_general3A_132 {dimension_numbers = #tpu.dot_dimension_numbers<[1], [0], [0], [1], [0, 0, 1, 1], [], []>, transpose_lhs_hint = false} : vector<1280x32xbf16>, vector<32x128xbf16>, vector<1280x128xf32> -> vector<1280x128xf32>
      %dot_general3A_134 = arith.constant dense<0.000000e+00> : vector<1280x128xf32>
      %dot_general3A_135 = tpu.matmul %convert_element_type3A_100, %convert_element_type3A_128, %dot_general3A_134 {dimension_numbers = #tpu.dot_dimension_numbers<[1], [0], [0], [1], [0, 0, 1, 1], [], []>, transpose_lhs_hint = false} : vector<1280x32xbf16>, vector<32x128xbf16>, vector<1280x128xf32> -> vector<1280x128xf32>
      %add3A_136 = arith.addf %dot_general3A_133, %dot_general3A_135 : vector<1280x128xf32>
      %dot_general3A_137 = arith.constant dense<0.000000e+00> : vector<1280x128xf32>
      %dot_general3A_138 = tpu.matmul %convert_element_type3A_100, %convert_element_type3A_131, %dot_general3A_137 {dimension_numbers = #tpu.dot_dimension_numbers<[1], [0], [0], [1], [0, 0, 1, 1], [], []>, transpose_lhs_hint = false} : vector<1280x32xbf16>, vector<32x128xbf16>, vector<1280x128xf32> -> vector<1280x128xf32>
      %add3A_139 = arith.addf %add3A_136, %dot_general3A_138 : vector<1280x128xf32>
      %swap3A_140 = arith.constant 0 : index
      %swap3A_141 = arith.constant 0 : index
      %swap3A_142 = vector.load %arg29[%swap3A_140, %swap3A_141] : memref<1280x128xf32, #tpu.memory_space<vmem>>, vector<1280x128xf32>
      tpu.vector_store %arg29[%swap3A_140, %swap3A_141], %add3A_139 {strides = array<i32>} : memref<1280x128xf32, #tpu.memory_space<vmem>>, vector<1280x128xf32>,
    } else {
      %add3A_93 = arith.constant 1 : i32
      %add3A_94 = arith.addi %get3A_2, %add3A_93 : i32
      %while3A_95 = arith.constant 0 : i32
      %while3A_96 = arith.subi %add3A_94, %get3A_0 : i32
      %while3A_97 = arith.addi %get3A_0, %while3A_96 : i32
      %while3A_98 = arith.constant 1 : i32
      %while3A_99 = arith.divsi %while3A_96, %while3A_98 : i32
      %while3A_100 = arith.muli %while3A_99, %while3A_98 : i32
      %while3A_101 = arith.addi %get3A_0, %while3A_100 : i32
      %while3A_102 = arith.constant 1 : i32
      %while3A_103 = scf.for %while3A_106 = %get3A_0 to %while3A_101 step %while3A_102 iter_args(%while3A_107 = %while3A_95) -> (i32)  : i32 {
        %eq3A_108 = vector.broadcast %while3A_106 : i32 to vector<1280x1xi32>
        %eq3A_109 = arith.cmpi eq, %get3A_7, %eq3A_108 : vector<1280x1xi32>
        %get3A_110 = arith.index_cast %while3A_106 : i32 to index
        %get3A_111 = arith.constant 0 : index
        %get3A_112 = vector.load %arg26[%get3A_110, %get3A_111] : memref<1024x128xf32, #tpu.memory_space<vmem>>, vector<1x128xf32>
        %get3A_113 = arith.constant 0 : index
        %get3A_114 = arith.constant 0 : index
        %get3A_115 = vector.load %arg28[%get3A_113, %get3A_114] : memref<1280x128xf32, #tpu.memory_space<vmem>>, vector<1280x128xf32>
        %broadcast_in_dim3A = vector.shape_cast %eq3A_109 : vector<1280x1xi1> to vector<1280x1xi1>
        %broadcast_in_dim3A_116 = vector.broadcast %broadcast_in_dim3A : vector<1280x1xi1> to vector<1280x128xi1>
        %broadcast_in_dim3A_117 = vector.shape_cast %get3A_112 : vector<1x128xf32> to vector<1x128xf32>
        %broadcast_in_dim3A_118 = vector.broadcast %broadcast_in_dim3A_117 : vector<1x128xf32> to vector<1280x128xf32>
        %select_n3A = arith.select %broadcast_in_dim3A_116, %broadcast_in_dim3A_118, %get3A_115 : vector<1280x128xi1>, vector<1280x128xf32>
        %swap3A_119 = arith.constant 0 : index
        %swap3A_120 = arith.constant 0 : index
        %swap3A_121 = vector.load %arg28[%swap3A_119, %swap3A_120] : memref<1280x128xf32, #tpu.memory_space<vmem>>, vector<1280x128xf32>
        tpu.vector_store %arg28[%swap3A_119, %swap3A_120], %select_n3A {strides = array<i32>} : memref<1280x128xf32, #tpu.memory_space<vmem>>, vector<1280x128xf32>,
        %get3A_122 = arith.index_cast %while3A_106 : i32 to index
        %get3A_123 = arith.constant 0 : index
        %get3A_124 = vector.load %arg27[%get3A_122, %get3A_123] : memref<1024x128xf32, #tpu.memory_space<vmem>>, vector<1x128xf32>
        %get3A_125 = arith.constant 0 : index
        %get3A_126 = arith.constant 0 : index
        %get3A_127 = vector.load %arg29[%get3A_125, %get3A_126] : memref<1280x128xf32, #tpu.memory_space<vmem>>, vector<1280x128xf32>
        %broadcast_in_dim3A_128 = vector.shape_cast %eq3A_109 : vector<1280x1xi1> to vector<1280x1xi1>
        %broadcast_in_dim3A_129 = vector.broadcast %broadcast_in_dim3A_128 : vector<1280x1xi1> to vector<1280x128xi1>
        %broadcast_in_dim3A_130 = vector.shape_cast %get3A_124 : vector<1x128xf32> to vector<1x128xf32>
        %broadcast_in_dim3A_131 = vector.broadcast %broadcast_in_dim3A_130 : vector<1x128xf32> to vector<1280x128xf32>
        %select_n3A_132 = arith.select %broadcast_in_dim3A_129, %broadcast_in_dim3A_131, %get3A_127 : vector<1280x128xi1>, vector<1280x128xf32>
        %swap3A_133 = arith.constant 0 : index
        %swap3A_134 = arith.constant 0 : index
        %swap3A_135 = vector.load %arg29[%swap3A_133, %swap3A_134] : memref<1280x128xf32, #tpu.memory_space<vmem>>, vector<1280x128xf32>
        tpu.vector_store %arg29[%swap3A_133, %swap3A_134], %select_n3A_132 {strides = array<i32>} : memref<1280x128xf32, #tpu.memory_space<vmem>>, vector<1280x128xf32>,
        %while3A_136 = arith.constant 0 : i32
        scf.yield %while3A_136 : i32
      }
      %while3A_104 = arith.constant 1 : i32
      %while3A_105 = scf.for %while3A_106 = %while3A_101 to %while3A_97 step %while3A_104 iter_args(%while3A_107 = %while3A_103) -> (i32)  : i32 {
        %eq3A_108 = vector.broadcast %while3A_106 : i32 to vector<1280x1xi32>
        %eq3A_109 = arith.cmpi eq, %get3A_7, %eq3A_108 : vector<1280x1xi32>
        %get3A_110 = arith.index_cast %while3A_106 : i32 to index
        %get3A_111 = arith.constant 0 : index
        %get3A_112 = vector.load %arg26[%get3A_110, %get3A_111] : memref<1024x128xf32, #tpu.memory_space<vmem>>, vector<1x128xf32>
        %get3A_113 = arith.constant 0 : index
        %get3A_114 = arith.constant 0 : index
        %get3A_115 = vector.load %arg28[%get3A_113, %get3A_114] : memref<1280x128xf32, #tpu.memory_space<vmem>>, vector<1280x128xf32>
        %broadcast_in_dim3A = vector.shape_cast %eq3A_109 : vector<1280x1xi1> to vector<1280x1xi1>
        %broadcast_in_dim3A_116 = vector.broadcast %broadcast_in_dim3A : vector<1280x1xi1> to vector<1280x128xi1>
        %broadcast_in_dim3A_117 = vector.shape_cast %get3A_112 : vector<1x128xf32> to vector<1x128xf32>
        %broadcast_in_dim3A_118 = vector.broadcast %broadcast_in_dim3A_117 : vector<1x128xf32> to vector<1280x128xf32>
        %select_n3A = arith.select %broadcast_in_dim3A_116, %broadcast_in_dim3A_118, %get3A_115 : vector<1280x128xi1>, vector<1280x128xf32>
        %swap3A_119 = arith.constant 0 : index
        %swap3A_120 = arith.constant 0 : index
        %swap3A_121 = vector.load %arg28[%swap3A_119, %swap3A_120] : memref<1280x128xf32, #tpu.memory_space<vmem>>, vector<1280x128xf32>
        tpu.vector_store %arg28[%swap3A_119, %swap3A_120], %select_n3A {strides = array<i32>} : memref<1280x128xf32, #tpu.memory_space<vmem>>, vector<1280x128xf32>,
        %get3A_122 = arith.index_cast %while3A_106 : i32 to index
        %get3A_123 = arith.constant 0 : index
        %get3A_124 = vector.load %arg27[%get3A_122, %get3A_123] : memref<1024x128xf32, #tpu.memory_space<vmem>>, vector<1x128xf32>
        %get3A_125 = arith.constant 0 : index
        %get3A_126 = arith.constant 0 : index
        %get3A_127 = vector.load %arg29[%get3A_125, %get3A_126] : memref<1280x128xf32, #tpu.memory_space<vmem>>, vector<1280x128xf32>
        %broadcast_in_dim3A_128 = vector.shape_cast %eq3A_109 : vector<1280x1xi1> to vector<1280x1xi1>
        %broadcast_in_dim3A_129 = vector.broadcast %broadcast_in_dim3A_128 : vector<1280x1xi1> to vector<1280x128xi1>
        %broadcast_in_dim3A_130 = vector.shape_cast %get3A_124 : vector<1x128xf32> to vector<1x128xf32>
        %broadcast_in_dim3A_131 = vector.broadcast %broadcast_in_dim3A_130 : vector<1x128xf32> to vector<1280x128xf32>
        %select_n3A_132 = arith.select %broadcast_in_dim3A_129, %broadcast_in_dim3A_131, %get3A_127 : vector<1280x128xi1>, vector<1280x128xf32>
        %swap3A_133 = arith.constant 0 : index
        %swap3A_134 = arith.constant 0 : index
        %swap3A_135 = vector.load %arg29[%swap3A_133, %swap3A_134] : memref<1280x128xf32, #tpu.memory_space<vmem>>, vector<1280x128xf32>
        tpu.vector_store %arg29[%swap3A_133, %swap3A_134], %select_n3A_132 {strides = array<i32>} : memref<1280x128xf32, #tpu.memory_space<vmem>>, vector<1280x128xf32>,
        %while3A_136 = arith.constant 0 : i32
        scf.yield %while3A_136 : i32
      }
    }
    %get3A_18 = arith.constant 0 : index
    %get3A_19 = arith.constant 0 : index
    %get3A_20 = vector.load %arg3[%get3A_18, %get3A_19] : memref<1280x128xf32, #tpu.memory_space<vmem>>, vector<1280x128xf32>
    %convert_element_type3A_21 = arith.truncf %get3A_20 : vector<1280x128xf32> to vector<1280x128xbf16>
    %get3A_22 = arith.constant 0 : index
    %get3A_23 = arith.constant 0 : index
    %get3A_24 = vector.load %arg6[%get3A_22, %get3A_23] : memref<128x128xbf16, #tpu.memory_space<vmem>>, vector<128x128xbf16>
    %dot_general3A = arith.constant dense<0.000000e+00> : vector<1280x128xf32>
    %dot_general3A_25 = tpu.matmul %convert_element_type3A_21, %get3A_24, %dot_general3A {dimension_numbers = #tpu.dot_dimension_numbers<[1], [0], [0], [1], [0, 0, 1, 1], [], []>, transpose_lhs_hint = false} : vector<1280x128xbf16>, vector<128x128xbf16>, vector<1280x128xf32> -> vector<1280x128xf32>
    %get3A_26 = arith.constant 0 : index
    %get3A_27 = arith.constant 0 : index
    %get3A_28 = vector.load %arg7[%get3A_26, %get3A_27] : memref<1x128xf32, #tpu.memory_space<vmem>>, vector<1x128xf32>
    %add3A = vector.broadcast %get3A_28 : vector<1x128xf32> to vector<1280x128xf32>
    %add3A_29 = arith.addf %dot_general3A_25, %add3A : vector<1280x128xf32>
    %mul3A = arith.constant 1.000000e-01 : f32
    %mul3A_30 = vector.broadcast %mul3A : f32 to vector<1280x128xf32>
    %mul3A_31 = arith.mulf %mul3A_30, %add3A_29 : vector<1280x128xf32>
    %max3A = arith.maximumf %add3A_29, %mul3A_31 : vector<1280x128xf32>
    %convert_element_type3A_32 = arith.truncf %max3A : vector<1280x128xf32> to vector<1280x128xbf16>
    %get3A_33 = arith.constant 0 : index
    %get3A_34 = arith.constant 0 : index
    %get3A_35 = vector.load %arg8[%get3A_33, %get3A_34] : memref<128x128xbf16, #tpu.memory_space<vmem>>, vector<128x128xbf16>
    %dot_general3A_36 = arith.constant dense<0.000000e+00> : vector<1280x128xf32>
    %dot_general3A_37 = tpu.matmul %convert_element_type3A_32, %get3A_35, %dot_general3A_36 {dimension_numbers = #tpu.dot_dimension_numbers<[1], [0], [0], [1], [0, 0, 1, 1], [], []>, transpose_lhs_hint = false} : vector<1280x128xbf16>, vector<128x128xbf16>, vector<1280x128xf32> -> vector<1280x128xf32>
    %get3A_38 = arith.constant 0 : index
    %get3A_39 = arith.constant 0 : index
    %get3A_40 = vector.load %arg28[%get3A_38, %get3A_39] : memref<1280x128xf32, #tpu.memory_space<vmem>>, vector<1280x128xf32>
    %add3A_41 = arith.addf %dot_general3A_37, %get3A_40 : vector<1280x128xf32>
    %mul3A_42 = arith.constant 1.000000e-01 : f32
    %mul3A_43 = vector.broadcast %mul3A_42 : f32 to vector<1280x128xf32>
    %mul3A_44 = arith.mulf %mul3A_43, %add3A_41 : vector<1280x128xf32>
    %max3A_45 = arith.maximumf %add3A_41, %mul3A_44 : vector<1280x128xf32>
    %convert_element_type3A_46 = arith.truncf %max3A_45 : vector<1280x128xf32> to vector<1280x128xbf16>
    %get3A_47 = arith.constant 0 : index
    %get3A_48 = arith.constant 0 : index
    %get3A_49 = vector.load %arg14[%get3A_47, %get3A_48] : memref<128x128xbf16, #tpu.memory_space<vmem>>, vector<128x128xbf16>
    %dot_general3A_50 = arith.constant dense<0.000000e+00> : vector<1280x128xf32>
    %dot_general3A_51 = tpu.matmul %convert_element_type3A_32, %get3A_49, %dot_general3A_50 {dimension_numbers = #tpu.dot_dimension_numbers<[1], [0], [0], [1], [0, 0, 1, 1], [], []>, transpose_lhs_hint = false} : vector<1280x128xbf16>, vector<128x128xbf16>, vector<1280x128xf32> -> vector<1280x128xf32>
    %get3A_52 = arith.constant 0 : index
    %get3A_53 = arith.constant 0 : index
    %get3A_54 = vector.load %arg29[%get3A_52, %get3A_53] : memref<1280x128xf32, #tpu.memory_space<vmem>>, vector<1280x128xf32>
    %add3A_55 = arith.addf %dot_general3A_51, %get3A_54 : vector<1280x128xf32>
    %mul3A_56 = arith.constant 1.000000e-01 : f32
    %mul3A_57 = vector.broadcast %mul3A_56 : f32 to vector<1280x128xf32>
    %mul3A_58 = arith.mulf %mul3A_57, %add3A_55 : vector<1280x128xf32>
    %max3A_59 = arith.maximumf %add3A_55, %mul3A_58 : vector<1280x128xf32>
    %get3A_60 = arith.constant 0 : index
    %get3A_61 = arith.constant 0 : index
    %get3A_62 = vector.load %arg18[%get3A_60, %get3A_61] : memref<1x128xbf16, #tpu.memory_space<vmem>>, vector<1x128xbf16>
    %convert_element_type3A_63 = arith.truncf %max3A_59 : vector<1280x128xf32> to vector<1280x128xbf16>
    %dot_general3A_64 = arith.constant dense<0.000000e+00> : vector<1x1280xf32>
    %dot_general3A_65 = tpu.matmul %get3A_62, %convert_element_type3A_63, %dot_general3A_64 {dimension_numbers = #tpu.dot_dimension_numbers<[1], [1], [0], [0], [0, 0, 1, 0], [], []>, transpose_lhs_hint = false} : vector<1x128xbf16>, vector<1280x128xbf16>, vector<1x1280xf32> -> vector<1x1280xf32>
    %get3A_66 = arith.constant 0 : index
    %get3A_67 = arith.constant 0 : index
    %get3A_68 = vector.load %arg19[%get3A_66, %get3A_67] : memref<1x1xf32, #tpu.memory_space<vmem>>, vector<1x1xf32>
    %add3A_69 = vector.broadcast %get3A_68 : vector<1x1xf32> to vector<1x1280xf32>
    %add3A_70 = arith.addf %dot_general3A_65, %add3A_69 : vector<1x1280xf32>
    %swap3A = arith.constant 0 : index
    %swap3A_71 = arith.constant 0 : index
    %swap3A_72 = arith.constant 0 : index
    %swap3A_73 = vector.load %arg22[%swap3A, %swap3A_71, %swap3A_72] : memref<1x1x1280xf32, #tpu.memory_space<vmem>>, vector<1x1x1280xf32>
    %swap3A_74 = vector.shape_cast %swap3A_73 : vector<1x1x1280xf32> to vector<1x1280xf32>
    %swap3A_75 = vector.shape_cast %add3A_70 : vector<1x1280xf32> to vector<1x1x1280xf32>
    tpu.vector_store %arg22[%swap3A, %swap3A_71, %swap3A_72], %swap3A_75 {strides = array<i32>} : memref<1x1x1280xf32, #tpu.memory_space<vmem>>, vector<1x1x1280xf32>,
    %add3A_76 = arith.constant 1 : i32
    %add3A_77 = arith.addi %get3A_2, %add3A_76 : i32
    %while3A = arith.constant 0 : i32
    %while3A_78 = arith.subi %add3A_77, %get3A_0 : i32
    %while3A_79 = arith.addi %get3A_0, %while3A_78 : i32
    %while3A_80 = arith.constant 1 : i32
    %while3A_81 = arith.divsi %while3A_78, %while3A_80 : i32
    %while3A_82 = arith.muli %while3A_81, %while3A_80 : i32
    %while3A_83 = arith.addi %get3A_0, %while3A_82 : i32
    %while3A_84 = arith.constant 1 : i32
    %while3A_85 = scf.for %while3A_93 = %get3A_0 to %while3A_83 step %while3A_84 iter_args(%while3A_94 = %while3A) -> (i32)  : i32 {
      %eq3A_95 = vector.broadcast %while3A_93 : i32 to vector<1x1280xi32>
      %eq3A_96 = arith.cmpi eq, %get3A_12, %eq3A_95 : vector<1x1280xi32>
      %jit3A = arith.constant 0xFF800000 : f32
      %broadcast_in_dim3A = vector.broadcast %jit3A : f32 to vector<1x1280xf32>
      %select_n3A = arith.select %eq3A_96, %add3A_70, %broadcast_in_dim3A : vector<1x1280xi1>, vector<1x1280xf32>
      %reduce_max3A = arith.constant dense<0xFF800000> : vector<1xf32>
      %reduce_max3A_97 = vector.multi_reduction <maximumf>, %select_n3A, %reduce_max3A [1] : vector<1x1280xf32> to vector<1xf32>
      %broadcast_in_dim3A_98 = vector.shape_cast %reduce_max3A_97 : vector<1xf32> to vector<1x1xf32>
      %get3A_99 = arith.index_cast %while3A_93 : i32 to index
      %get3A_100 = arith.constant 0 : index
      %get3A_101 = vector.load %arg31[%get3A_99, %get3A_100] : memref<1024x128xf32, #tpu.memory_space<vmem>>, vector<1x1xf32>
      %max3A_102 = arith.maximumf %get3A_101, %broadcast_in_dim3A_98 : vector<1x1xf32>
      %eq3A_103 = arith.constant 0xFF800000 : f32
      %eq3A_104 = vector.broadcast %eq3A_103 : f32 to vector<1x1xf32>
      %eq3A_105 = arith.cmpf oeq, %get3A_101, %eq3A_104 : vector<1x1xf32>
      %sub3A_106 = arith.subf %get3A_101, %max3A_102 : vector<1x1xf32>
      %exp3A = math.exp %sub3A_106 : vector<1x1xf32>
      %jit3A_107 = arith.constant 0.000000e+00 : f32
      %broadcast_in_dim3A_108 = vector.broadcast %jit3A_107 : f32 to vector<1x1xf32>
      %select_n3A_109 = arith.select %eq3A_105, %broadcast_in_dim3A_108, %exp3A : vector<1x1xi1>, vector<1x1xf32>
      %sub3A_110 = vector.broadcast %max3A_102 : vector<1x1xf32> to vector<1x1280xf32>
      %sub3A_111 = arith.subf %add3A_70, %sub3A_110 : vector<1x1280xf32>
      %exp3A_112 = math.exp %sub3A_111 : vector<1x1280xf32>
      %jit3A_113 = arith.constant 0.000000e+00 : f32
      %broadcast_in_dim3A_114 = vector.broadcast %jit3A_113 : f32 to vector<1x1280xf32>
      %select_n3A_115 = arith.select %eq3A_96, %exp3A_112, %broadcast_in_dim3A_114 : vector<1x1280xi1>, vector<1x1280xf32>
      %reduce_sum3A = arith.constant dense<0.000000e+00> : vector<1xf32>
      %reduce_sum3A_116 = vector.multi_reduction <add>, %select_n3A_115, %reduce_sum3A [1] : vector<1x1280xf32> to vector<1xf32>
      %broadcast_in_dim3A_117 = vector.shape_cast %reduce_sum3A_116 : vector<1xf32> to vector<1x1xf32>
      %convert_element_type3A_118 = arith.truncf %select_n3A_115 : vector<1x1280xf32> to vector<1x1280xbf16>
      %dot_general3A_119 = arith.constant dense<0.000000e+00> : vector<1x128xf32>
      %dot_general3A_120 = tpu.matmul %convert_element_type3A_118, %convert_element_type3A_46, %dot_general3A_119 {dimension_numbers = #tpu.dot_dimension_numbers<[1], [0], [0], [1], [0, 0, 1, 1], [], []>, transpose_lhs_hint = false} : vector<1x1280xbf16>, vector<1280x128xbf16>, vector<1x128xf32> -> vector<1x128xf32>
      %get3A_121 = arith.index_cast %while3A_93 : i32 to index
      %get3A_122 = arith.constant 0 : index
      %get3A_123 = vector.load %arg32[%get3A_121, %get3A_122] : memref<1024x128xf32, #tpu.memory_space<vmem>>, vector<1x128xf32>
      %mul3A_124 = vector.broadcast %select_n3A_109 : vector<1x1xf32> to vector<1x128xf32>
      %mul3A_125 = arith.mulf %get3A_123, %mul3A_124 : vector<1x128xf32>
      %add3A_126 = vector.broadcast %broadcast_in_dim3A_117 : vector<1x1xf32> to vector<1x128xf32>
      %add3A_127 = arith.addf %mul3A_125, %add3A_126 : vector<1x128xf32>
      %swap3A_128 = arith.index_cast %while3A_93 : i32 to index
      %swap3A_129 = arith.constant 0 : index
      %swap3A_130 = vector.load %arg32[%swap3A_128, %swap3A_129] : memref<1024x128xf32, #tpu.memory_space<vmem>>, vector<1x128xf32>
      tpu.vector_store %arg32[%swap3A_128, %swap3A_129], %add3A_127 {strides = array<i32>} : memref<1024x128xf32, #tpu.memory_space<vmem>>, vector<1x128xf32>,
      %get3A_131 = arith.index_cast %while3A_93 : i32 to index
      %get3A_132 = arith.constant 0 : index
      %get3A_133 = vector.load %arg30[%get3A_131, %get3A_132] : memref<1024x128xf32, #tpu.memory_space<vmem>>, vector<1x128xf32>
      %mul3A_134 = vector.broadcast %select_n3A_109 : vector<1x1xf32> to vector<1x128xf32>
      %mul3A_135 = arith.mulf %get3A_133, %mul3A_134 : vector<1x128xf32>
      %add3A_136 = arith.addf %mul3A_135, %dot_general3A_120 : vector<1x128xf32>
      %swap3A_137 = arith.index_cast %while3A_93 : i32 to index
      %swap3A_138 = arith.constant 0 : index
      %swap3A_139 = vector.load %arg30[%swap3A_137, %swap3A_138] : memref<1024x128xf32, #tpu.memory_space<vmem>>, vector<1x128xf32>
      tpu.vector_store %arg30[%swap3A_137, %swap3A_138], %add3A_136 {strides = array<i32>} : memref<1024x128xf32, #tpu.memory_space<vmem>>, vector<1x128xf32>,
      %broadcast_in_dim3A_140 = vector.shape_cast %max3A_102 : vector<1x1xf32> to vector<1x1xf32>
      %broadcast_in_dim3A_141 = vector.broadcast %broadcast_in_dim3A_140 : vector<1x1xf32> to vector<1x128xf32>
      %swap3A_142 = arith.index_cast %while3A_93 : i32 to index
      %swap3A_143 = arith.constant 0 : index
      %swap3A_144 = vector.load %arg31[%swap3A_142, %swap3A_143] : memref<1024x128xf32, #tpu.memory_space<vmem>>, vector<1x128xf32>
      tpu.vector_store %arg31[%swap3A_142, %swap3A_143], %broadcast_in_dim3A_141 {strides = array<i32>} : memref<1024x128xf32, #tpu.memory_space<vmem>>, vector<1x128xf32>,
      %while3A_145 = arith.constant 0 : i32
      scf.yield %while3A_145 : i32
    }
    %while3A_86 = arith.constant 1 : i32
    %while3A_87 = scf.for %while3A_93 = %while3A_83 to %while3A_79 step %while3A_86 iter_args(%while3A_94 = %while3A_85) -> (i32)  : i32 {
      %eq3A_95 = vector.broadcast %while3A_93 : i32 to vector<1x1280xi32>
      %eq3A_96 = arith.cmpi eq, %get3A_12, %eq3A_95 : vector<1x1280xi32>
      %jit3A = arith.constant 0xFF800000 : f32
      %broadcast_in_dim3A = vector.broadcast %jit3A : f32 to vector<1x1280xf32>
      %select_n3A = arith.select %eq3A_96, %add3A_70, %broadcast_in_dim3A : vector<1x1280xi1>, vector<1x1280xf32>
      %reduce_max3A = arith.constant dense<0xFF800000> : vector<1xf32>
      %reduce_max3A_97 = vector.multi_reduction <maximumf>, %select_n3A, %reduce_max3A [1] : vector<1x1280xf32> to vector<1xf32>
      %broadcast_in_dim3A_98 = vector.shape_cast %reduce_max3A_97 : vector<1xf32> to vector<1x1xf32>
      %get3A_99 = arith.index_cast %while3A_93 : i32 to index
      %get3A_100 = arith.constant 0 : index
      %get3A_101 = vector.load %arg31[%get3A_99, %get3A_100] : memref<1024x128xf32, #tpu.memory_space<vmem>>, vector<1x1xf32>
      %max3A_102 = arith.maximumf %get3A_101, %broadcast_in_dim3A_98 : vector<1x1xf32>
      %eq3A_103 = arith.constant 0xFF800000 : f32
      %eq3A_104 = vector.broadcast %eq3A_103 : f32 to vector<1x1xf32>
      %eq3A_105 = arith.cmpf oeq, %get3A_101, %eq3A_104 : vector<1x1xf32>
      %sub3A_106 = arith.subf %get3A_101, %max3A_102 : vector<1x1xf32>
      %exp3A = math.exp %sub3A_106 : vector<1x1xf32>
      %jit3A_107 = arith.constant 0.000000e+00 : f32
      %broadcast_in_dim3A_108 = vector.broadcast %jit3A_107 : f32 to vector<1x1xf32>
      %select_n3A_109 = arith.select %eq3A_105, %broadcast_in_dim3A_108, %exp3A : vector<1x1xi1>, vector<1x1xf32>
      %sub3A_110 = vector.broadcast %max3A_102 : vector<1x1xf32> to vector<1x1280xf32>
      %sub3A_111 = arith.subf %add3A_70, %sub3A_110 : vector<1x1280xf32>
      %exp3A_112 = math.exp %sub3A_111 : vector<1x1280xf32>
      %jit3A_113 = arith.constant 0.000000e+00 : f32
      %broadcast_in_dim3A_114 = vector.broadcast %jit3A_113 : f32 to vector<1x1280xf32>
      %select_n3A_115 = arith.select %eq3A_96, %exp3A_112, %broadcast_in_dim3A_114 : vector<1x1280xi1>, vector<1x1280xf32>
      %reduce_sum3A = arith.constant dense<0.000000e+00> : vector<1xf32>
      %reduce_sum3A_116 = vector.multi_reduction <add>, %select_n3A_115, %reduce_sum3A [1] : vector<1x1280xf32> to vector<1xf32>
      %broadcast_in_dim3A_117 = vector.shape_cast %reduce_sum3A_116 : vector<1xf32> to vector<1x1xf32>
      %convert_element_type3A_118 = arith.truncf %select_n3A_115 : vector<1x1280xf32> to vector<1x1280xbf16>
      %dot_general3A_119 = arith.constant dense<0.000000e+00> : vector<1x128xf32>
      %dot_general3A_120 = tpu.matmul %convert_element_type3A_118, %convert_element_type3A_46, %dot_general3A_119 {dimension_numbers = #tpu.dot_dimension_numbers<[1], [0], [0], [1], [0, 0, 1, 1], [], []>, transpose_lhs_hint = false} : vector<1x1280xbf16>, vector<1280x128xbf16>, vector<1x128xf32> -> vector<1x128xf32>
      %get3A_121 = arith.index_cast %while3A_93 : i32 to index
      %get3A_122 = arith.constant 0 : index
      %get3A_123 = vector.load %arg32[%get3A_121, %get3A_122] : memref<1024x128xf32, #tpu.memory_space<vmem>>, vector<1x128xf32>
      %mul3A_124 = vector.broadcast %select_n3A_109 : vector<1x1xf32> to vector<1x128xf32>
      %mul3A_125 = arith.mulf %get3A_123, %mul3A_124 : vector<1x128xf32>
      %add3A_126 = vector.broadcast %broadcast_in_dim3A_117 : vector<1x1xf32> to vector<1x128xf32>
      %add3A_127 = arith.addf %mul3A_125, %add3A_126 : vector<1x128xf32>
      %swap3A_128 = arith.index_cast %while3A_93 : i32 to index
      %swap3A_129 = arith.constant 0 : index
      %swap3A_130 = vector.load %arg32[%swap3A_128, %swap3A_129] : memref<1024x128xf32, #tpu.memory_space<vmem>>, vector<1x128xf32>
      tpu.vector_store %arg32[%swap3A_128, %swap3A_129], %add3A_127 {strides = array<i32>} : memref<1024x128xf32, #tpu.memory_space<vmem>>, vector<1x128xf32>,
      %get3A_131 = arith.index_cast %while3A_93 : i32 to index
      %get3A_132 = arith.constant 0 : index
      %get3A_133 = vector.load %arg30[%get3A_131, %get3A_132] : memref<1024x128xf32, #tpu.memory_space<vmem>>, vector<1x128xf32>
      %mul3A_134 = vector.broadcast %select_n3A_109 : vector<1x1xf32> to vector<1x128xf32>
      %mul3A_135 = arith.mulf %get3A_133, %mul3A_134 : vector<1x128xf32>
      %add3A_136 = arith.addf %mul3A_135, %dot_general3A_120 : vector<1x128xf32>
      %swap3A_137 = arith.index_cast %while3A_93 : i32 to index
      %swap3A_138 = arith.constant 0 : index
      %swap3A_139 = vector.load %arg30[%swap3A_137, %swap3A_138] : memref<1024x128xf32, #tpu.memory_space<vmem>>, vector<1x128xf32>
      tpu.vector_store %arg30[%swap3A_137, %swap3A_138], %add3A_136 {strides = array<i32>} : memref<1024x128xf32, #tpu.memory_space<vmem>>, vector<1x128xf32>,
      %broadcast_in_dim3A_140 = vector.shape_cast %max3A_102 : vector<1x1xf32> to vector<1x1xf32>
      %broadcast_in_dim3A_141 = vector.broadcast %broadcast_in_dim3A_140 : vector<1x1xf32> to vector<1x128xf32>
      %swap3A_142 = arith.index_cast %while3A_93 : i32 to index
      %swap3A_143 = arith.constant 0 : index
      %swap3A_144 = vector.load %arg31[%swap3A_142, %swap3A_143] : memref<1024x128xf32, #tpu.memory_space<vmem>>, vector<1x128xf32>
      tpu.vector_store %arg31[%swap3A_142, %swap3A_143], %broadcast_in_dim3A_141 {strides = array<i32>} : memref<1024x128xf32, #tpu.memory_space<vmem>>, vector<1x128xf32>,
      %while3A_145 = arith.constant 0 : i32
      scf.yield %while3A_145 : i32
    }
    %eq3A_88 = arith.constant 249 : i32
    %eq3A_89 = arith.cmpi eq, %arg0, %eq3A_88 : i32
    %convert_element_type3A_90 = arith.extui %eq3A_89 : i1 to i32
    %cond3A_91 = arith.constant 0 : i32
    %cond3A_92 = arith.cmpi ne, %convert_element_type3A_90, %cond3A_91 : i32
    scf.if %cond3A_92 {
      %get3A_93 = arith.constant 0 : index
      %get3A_94 = arith.constant 0 : index
      %get3A_95 = vector.load %arg32[%get3A_93, %get3A_94] : memref<1024x128xf32, #tpu.memory_space<vmem>>, vector<1024x128xf32>
      %add3A_96 = arith.constant 9.99999997E-7 : f32
      %add3A_97 = vector.broadcast %add3A_96 : f32 to vector<1024x128xf32>
      %add3A_98 = arith.addf %get3A_95, %add3A_97 : vector<1024x128xf32>
      %div3A = arith.constant 1.000000e+00 : f32
      %div3A_99 = vector.broadcast %div3A : f32 to vector<1024x128xf32>
      %div3A_100 = arith.divf %div3A_99, %add3A_98 : vector<1024x128xf32>
      %get3A_101 = arith.constant 0 : index
      %get3A_102 = arith.constant 0 : index
      %get3A_103 = vector.load %arg30[%get3A_101, %get3A_102] : memref<1024x128xf32, #tpu.memory_space<vmem>>, vector<1024x128xf32>
      %mul3A_104 = arith.mulf %get3A_103, %div3A_100 : vector<1024x128xf32>
      %convert_element_type3A_105 = arith.truncf %mul3A_104 : vector<1024x128xf32> to vector<1024x128xbf16>
      %get3A_106 = arith.constant 0 : index
      %get3A_107 = arith.constant 0 : index
      %get3A_108 = vector.load %arg12[%get3A_106, %get3A_107] : memref<128x128xbf16, #tpu.memory_space<vmem>>, vector<128x128xbf16>
      %dot_general3A_109 = arith.constant dense<0.000000e+00> : vector<1024x128xf32>
      %dot_general3A_110 = tpu.matmul %convert_element_type3A_105, %get3A_108, %dot_general3A_109 {dimension_numbers = #tpu.dot_dimension_numbers<[1], [0], [0], [1], [0, 0, 1, 1], [], []>, transpose_lhs_hint = false} : vector<1024x128xbf16>, vector<128x128xbf16>, vector<1024x128xf32> -> vector<1024x128xf32>
      %get3A_111 = arith.constant 0 : index
      %get3A_112 = arith.constant 0 : index
      %get3A_113 = vector.load %arg13[%get3A_111, %get3A_112] : memref<1x128xf32, #tpu.memory_space<vmem>>, vector<1x128xf32>
      %get3A_114 = arith.constant 0 : index
      %get3A_115 = arith.constant 0 : index
      %get3A_116 = vector.load %arg32[%get3A_114, %get3A_115] : memref<1024x128xf32, #tpu.memory_space<vmem>>, vector<1024x128xf32>
      %mul3A_117 = arith.mulf %get3A_116, %div3A_100 : vector<1024x128xf32>
      %mul3A_118 = vector.broadcast %get3A_113 : vector<1x128xf32> to vector<1024x128xf32>
      %mul3A_119 = arith.mulf %mul3A_118, %mul3A_117 : vector<1024x128xf32>
      %add3A_120 = arith.addf %dot_general3A_110, %mul3A_119 : vector<1024x128xf32>
      %swap3A_121 = arith.constant 0 : index
      %swap3A_122 = arith.constant 0 : index
      %swap3A_123 = vector.load %arg23[%swap3A_121, %swap3A_122] : memref<1024x128xf32, #tpu.memory_space<vmem>>, vector<1024x128xf32>
      tpu.vector_store %arg23[%swap3A_121, %swap3A_122], %add3A_120 {strides = array<i32>} : memref<1024x128xf32, #tpu.memory_space<vmem>>, vector<1024x128xf32>,
      %get3A_124 = arith.constant 0 : index
      %get3A_125 = arith.constant 0 : index
      %get3A_126 = vector.load %arg31[%get3A_124, %get3A_125] : memref<1024x128xf32, #tpu.memory_space<vmem>>, vector<1024x128xf32>
      %swap3A_127 = arith.constant 0 : index
      %swap3A_128 = arith.constant 0 : index
      %swap3A_129 = vector.load %arg24[%swap3A_127, %swap3A_128] : memref<1024x128xf32, #tpu.memory_space<vmem>>, vector<1024x128xf32>
      tpu.vector_store %arg24[%swap3A_127, %swap3A_128], %get3A_126 {strides = array<i32>} : memref<1024x128xf32, #tpu.memory_space<vmem>>, vector<1024x128xf32>,
      %swap3A_130 = arith.constant 0 : index
      %swap3A_131 = arith.constant 0 : index
      %swap3A_132 = vector.load %arg25[%swap3A_130, %swap3A_131] : memref<1024x128xf32, #tpu.memory_space<vmem>>, vector<1024x128xf32>
      tpu.vector_store %arg25[%swap3A_130, %swap3A_131], %div3A_100 {strides = array<i32>} : memref<1024x128xf32, #tpu.memory_space<vmem>>, vector<1024x128xf32>,
    } else {
    }
    return
  }
  func.func @transform_0(%arg0: i32, %arg1: memref<250xi32, #tpu.memory_space<smem>>, %arg2: memref<250xi32, #tpu.memory_space<smem>>) -> (i32, i32) {
    %c0_i32 = arith.constant 0 : i32
    %c0_i32_0 = arith.constant 0 : i32
    return %arg0, %c0_i32 : i32, i32
  }
  func.func @transform_1(%arg0: i32, %arg1: memref<250xi32, #tpu.memory_space<smem>>, %arg2: memref<250xi32, #tpu.memory_space<smem>>) -> (i32, i32) {
    %c0_i32 = arith.constant 0 : i32
    %c0_i32_0 = arith.constant 0 : i32
    return %arg0, %c0_i32 : i32, i32
  }
  func.func @transform_2(%arg0: i32, %arg1: memref<250xi32, #tpu.memory_space<smem>>, %arg2: memref<250xi32, #tpu.memory_space<smem>>) -> (i32, i32, i32) {
    %c0_i32 = arith.constant 0 : i32
    %c0_i32_0 = arith.constant 0 : i32
    %c0_i32_1 = arith.constant 0 : i32
    return %arg0, %c0_i32, %c0_i32_0 : i32, i32, i32
  }
  func.func @transform_3(%arg0: i32, %arg1: memref<250xi32, #tpu.memory_space<smem>>, %arg2: memref<250xi32, #tpu.memory_space<smem>>) -> (i32, i32) {
    %c0_i32 = arith.constant 0 : i32
    %c0_i32_0 = arith.constant 0 : i32
    %c0_i32_1 = arith.constant 0 : i32
    return %c0_i32, %c0_i32_0 : i32, i32
  }
  func.func @transform_4(%arg0: i32, %arg1: memref<250xi32, #tpu.memory_space<smem>>, %arg2: memref<250xi32, #tpu.memory_space<smem>>) -> (i32, i32) {
    %c0_i32 = arith.constant 0 : i32
    %c0_i32_0 = arith.constant 0 : i32
    %c0_i32_1 = arith.constant 0 : i32
    return %c0_i32, %c0_i32_0 : i32, i32
  }
  func.func @transform_5(%arg0: i32, %arg1: memref<250xi32, #tpu.memory_space<smem>>, %arg2: memref<250xi32, #tpu.memory_space<smem>>) -> (i32, i32) {
    %c0_i32 = arith.constant 0 : i32
    %c0_i32_0 = arith.constant 0 : i32
    %c0_i32_1 = arith.constant 0 : i32
    return %c0_i32, %c0_i32_0 : i32, i32
  }
  func.func @transform_6(%arg0: i32, %arg1: memref<250xi32, #tpu.memory_space<smem>>, %arg2: memref<250xi32, #tpu.memory_space<smem>>) -> (i32, i32) {
    %c0_i32 = arith.constant 0 : i32
    %c0_i32_0 = arith.constant 0 : i32
    %c0_i32_1 = arith.constant 0 : i32
    return %c0_i32, %c0_i32_0 : i32, i32
  }
  func.func @transform_7(%arg0: i32, %arg1: memref<250xi32, #tpu.memory_space<smem>>, %arg2: memref<250xi32, #tpu.memory_space<smem>>) -> (i32, i32) {
    %c0_i32 = arith.constant 0 : i32
    %c0_i32_0 = arith.constant 0 : i32
    %c0_i32_1 = arith.constant 0 : i32
    return %c0_i32, %c0_i32_0 : i32, i32
  }
  func.func @transform_8(%arg0: i32, %arg1: memref<250xi32, #tpu.memory_space<smem>>, %arg2: memref<250xi32, #tpu.memory_space<smem>>) -> (i32, i32) {
    %c0_i32 = arith.constant 0 : i32
    %c0_i32_0 = arith.constant 0 : i32
    %c0_i32_1 = arith.constant 0 : i32
    return %c0_i32, %c0_i32_0 : i32, i32
  }
  func.func @transform_9(%arg0: i32, %arg1: memref<250xi32, #tpu.memory_space<smem>>, %arg2: memref<250xi32, #tpu.memory_space<smem>>) -> (i32, i32) {
    %c0_i32 = arith.constant 0 : i32
    %c0_i32_0 = arith.constant 0 : i32
    %c0_i32_1 = arith.constant 0 : i32
    return %c0_i32, %c0_i32_0 : i32, i32
  }
  func.func @transform_10(%arg0: i32, %arg1: memref<250xi32, #tpu.memory_space<smem>>, %arg2: memref<250xi32, #tpu.memory_space<smem>>) -> (i32, i32) {
    %c0_i32 = arith.constant 0 : i32
    %c0_i32_0 = arith.constant 0 : i32
    %c0_i32_1 = arith.constant 0 : i32
    return %c0_i32, %c0_i32_0 : i32, i32
  }
  func.func @transform_11(%arg0: i32, %arg1: memref<250xi32, #tpu.memory_space<smem>>, %arg2: memref<250xi32, #tpu.memory_space<smem>>) -> (i32, i32) {
    %c0_i32 = arith.constant 0 : i32
    %c0_i32_0 = arith.constant 0 : i32
    %c0_i32_1 = arith.constant 0 : i32
    return %c0_i32, %c0_i32_0 : i32, i32
  }
  func.func @transform_12(%arg0: i32, %arg1: memref<250xi32, #tpu.memory_space<smem>>, %arg2: memref<250xi32, #tpu.memory_space<smem>>) -> (i32, i32) {
    %c0_i32 = arith.constant 0 : i32
    %c0_i32_0 = arith.constant 0 : i32
    %c0_i32_1 = arith.constant 0 : i32
    return %c0_i32, %c0_i32_0 : i32, i32
  }
  func.func @transform_13(%arg0: i32, %arg1: memref<250xi32, #tpu.memory_space<smem>>, %arg2: memref<250xi32, #tpu.memory_space<smem>>) -> (i32, i32) {
    %c0_i32 = arith.constant 0 : i32
    %c0_i32_0 = arith.constant 0 : i32
    %c0_i32_1 = arith.constant 0 : i32
    return %c0_i32, %c0_i32_0 : i32, i32
  }
  func.func @transform_14(%arg0: i32, %arg1: memref<250xi32, #tpu.memory_space<smem>>, %arg2: memref<250xi32, #tpu.memory_space<smem>>) -> (i32, i32) {
    %c0_i32 = arith.constant 0 : i32
    %c0_i32_0 = arith.constant 0 : i32
    %c0_i32_1 = arith.constant 0 : i32
    return %c0_i32, %c0_i32_0 : i32, i32
  }
  func.func @transform_15(%arg0: i32, %arg1: memref<250xi32, #tpu.memory_space<smem>>, %arg2: memref<250xi32, #tpu.memory_space<smem>>) -> (i32, i32) {
    %c0_i32 = arith.constant 0 : i32
    %c0_i32_0 = arith.constant 0 : i32
    %c0_i32_1 = arith.constant 0 : i32
    return %c0_i32, %c0_i32_0 : i32, i32
  }
  func.func @transform_16(%arg0: i32, %arg1: memref<250xi32, #tpu.memory_space<smem>>, %arg2: memref<250xi32, #tpu.memory_space<smem>>) -> (i32, i32) {
    %c0_i32 = arith.constant 0 : i32
    %c0_i32_0 = arith.constant 0 : i32
    %c0_i32_1 = arith.constant 0 : i32
    return %c0_i32, %c0_i32_0 : i32, i32
  }
  func.func @transform_17(%arg0: i32, %arg1: memref<250xi32, #tpu.memory_space<smem>>, %arg2: memref<250xi32, #tpu.memory_space<smem>>) -> (i32, i32) {
    %c0_i32 = arith.constant 0 : i32
    %c0_i32_0 = arith.constant 0 : i32
    %c0_i32_1 = arith.constant 0 : i32
    return %c0_i32, %c0_i32_0 : i32, i32
  }
  func.func @transform_18(%arg0: i32, %arg1: memref<250xi32, #tpu.memory_space<smem>>, %arg2: memref<250xi32, #tpu.memory_space<smem>>) -> (i32, i32) {
    %c0_i32 = arith.constant 0 : i32
    %c0_i32_0 = arith.constant 0 : i32
    %c0_i32_1 = arith.constant 0 : i32
    return %c0_i32, %c0_i32_0 : i32, i32
  }
  func.func @transform_19(%arg0: i32, %arg1: memref<250xi32, #tpu.memory_space<smem>>, %arg2: memref<250xi32, #tpu.memory_space<smem>>) -> (i32, i32, i32) {
    %c0_i32 = arith.constant 0 : i32
    %c0_i32_0 = arith.constant 0 : i32
    %c0_i32_1 = arith.constant 0 : i32
    return %arg0, %c0_i32, %c0_i32_0 : i32, i32, i32
  }
  func.func @transform_20(%arg0: i32, %arg1: memref<250xi32, #tpu.memory_space<smem>>, %arg2: memref<250xi32, #tpu.memory_space<smem>>) -> (i32, i32) {
    %c0_i32 = arith.constant 0 : i32
    %c0_i32_0 = arith.constant 0 : i32
    %c0_i32_1 = arith.constant 0 : i32
    return %c0_i32, %c0_i32_0 : i32, i32
  }
  func.func @transform_21(%arg0: i32, %arg1: memref<250xi32, #tpu.memory_space<smem>>, %arg2: memref<250xi32, #tpu.memory_space<smem>>) -> (i32, i32) {
    %c0_i32 = arith.constant 0 : i32
    %c0_i32_0 = arith.constant 0 : i32
    %c0_i32_1 = arith.constant 0 : i32
    return %c0_i32, %c0_i32_0 : i32, i32
  }
  func.func @transform_22(%arg0: i32, %arg1: memref<250xi32, #tpu.memory_space<smem>>, %arg2: memref<250xi32, #tpu.memory_space<smem>>) -> (i32, i32) {
    %c0_i32 = arith.constant 0 : i32
    %c0_i32_0 = arith.constant 0 : i32
    %c0_i32_1 = arith.constant 0 : i32
    return %c0_i32, %c0_i32_0 : i32, i32
  }
}

module attributes {stable_mosaic.version = 14 : i64} {
  func.func @_head_kernel(%arg0: i32, %arg1: memref<1024x128xf32, #tpu.memory_space<vmem>>, %arg2: memref<1024x1xi32, #tpu.memory_space<vmem>>, %arg3: memref<128x128xbf16, #tpu.memory_space<vmem>>, %arg4: memref<1x128xf32, #tpu.memory_space<vmem>>, %arg5: memref<128x1xbf16, #tpu.memory_space<vmem>>, %arg6: memref<1x1xf32, #tpu.memory_space<vmem>>, %arg7: memref<1024x128xf32, #tpu.memory_space<vmem>>, %arg8: memref<1024x1xf32, #tpu.memory_space<vmem>>) attributes {dimension_semantics = [#tpu.dimension_semantics<arbitrary>], iteration_bounds = array<i64: 1>, scalar_prefetch = 0 : i64, scratch_operands = 0 : i64, tpu.core_type = #tpu.core_type<tc>, window_params = [{pipeline_mode = #tpu.pipeline_mode<synchronous>, transform_indices = @transform_0, window_bounds = array<i64: 1024, 128>}, {pipeline_mode = #tpu.pipeline_mode<synchronous>, transform_indices = @transform_1, window_bounds = array<i64: 1024, 1>}, {pipeline_mode = #tpu.pipeline_mode<synchronous>, transform_indices = @transform_2, window_bounds = array<i64: 128, 128>}, {pipeline_mode = #tpu.pipeline_mode<synchronous>, transform_indices = @transform_3, window_bounds = array<i64: 1, 128>}, {pipeline_mode = #tpu.pipeline_mode<synchronous>, transform_indices = @transform_4, window_bounds = array<i64: 128, 1>}, {pipeline_mode = #tpu.pipeline_mode<synchronous>, transform_indices = @transform_5, window_bounds = array<i64: 1, 1>}, {pipeline_mode = #tpu.pipeline_mode<synchronous>, transform_indices = @transform_6, window_bounds = array<i64: 1024, 128>}, {pipeline_mode = #tpu.pipeline_mode<synchronous>, transform_indices = @transform_7, window_bounds = array<i64: 1024, 1>}]} {
    %get3A = arith.constant 0 : index
    %get3A_0 = arith.constant 0 : index
    %get3A_1 = vector.load %arg2[%get3A, %get3A_0] : memref<1024x1xi32, #tpu.memory_space<vmem>>, vector<1024x1xi32>
    %gt3A = arith.constant 0 : i32
    %gt3A_2 = vector.broadcast %gt3A : i32 to vector<1024x1xi32>
    %gt3A_3 = arith.cmpi sgt, %get3A_1, %gt3A_2 : vector<1024x1xi32>
    %get3A_4 = arith.constant 0 : index
    %get3A_5 = arith.constant 0 : index
    %get3A_6 = vector.load %arg1[%get3A_4, %get3A_5] : memref<1024x128xf32, #tpu.memory_space<vmem>>, vector<1024x128xf32>
    %jit3A = arith.constant 0.000000e+00 : f32
    %broadcast_in_dim3A = vector.shape_cast %gt3A_3 : vector<1024x1xi1> to vector<1024x1xi1>
    %broadcast_in_dim3A_7 = vector.broadcast %broadcast_in_dim3A : vector<1024x1xi1> to vector<1024x128xi1>
    %broadcast_in_dim3A_8 = vector.broadcast %jit3A : f32 to vector<1024x128xf32>
    %select_n3A = arith.select %broadcast_in_dim3A_7, %get3A_6, %broadcast_in_dim3A_8 : vector<1024x128xi1>, vector<1024x128xf32>
    %swap3A = arith.constant 0 : index
    %swap3A_9 = arith.constant 0 : index
    %swap3A_10 = vector.load %arg7[%swap3A, %swap3A_9] : memref<1024x128xf32, #tpu.memory_space<vmem>>, vector<1024x128xf32>
    tpu.vector_store %arg7[%swap3A, %swap3A_9], %select_n3A {strides = array<i32>} : memref<1024x128xf32, #tpu.memory_space<vmem>>, vector<1024x128xf32>,
    %convert_element_type3A = arith.truncf %select_n3A : vector<1024x128xf32> to vector<1024x128xbf16>
    %get3A_11 = arith.constant 0 : index
    %get3A_12 = arith.constant 0 : index
    %get3A_13 = vector.load %arg3[%get3A_11, %get3A_12] : memref<128x128xbf16, #tpu.memory_space<vmem>>, vector<128x128xbf16>
    %dot_general3A = arith.constant dense<0.000000e+00> : vector<1024x128xf32>
    %dot_general3A_14 = tpu.matmul %convert_element_type3A, %get3A_13, %dot_general3A {dimension_numbers = #tpu.dot_dimension_numbers<[1], [0], [0], [1], [0, 0, 1, 1], [], []>, transpose_lhs_hint = false} : vector<1024x128xbf16>, vector<128x128xbf16>, vector<1024x128xf32> -> vector<1024x128xf32>
    %get3A_15 = arith.constant 0 : index
    %get3A_16 = arith.constant 0 : index
    %get3A_17 = vector.load %arg4[%get3A_15, %get3A_16] : memref<1x128xf32, #tpu.memory_space<vmem>>, vector<1x128xf32>
    %add3A = vector.broadcast %get3A_17 : vector<1x128xf32> to vector<1024x128xf32>
    %add3A_18 = arith.addf %dot_general3A_14, %add3A : vector<1024x128xf32>
    %mul3A = arith.constant 1.000000e-01 : f32
    %mul3A_19 = vector.broadcast %mul3A : f32 to vector<1024x128xf32>
    %mul3A_20 = arith.mulf %mul3A_19, %add3A_18 : vector<1024x128xf32>
    %max3A = arith.maximumf %add3A_18, %mul3A_20 : vector<1024x128xf32>
    %convert_element_type3A_21 = arith.truncf %max3A : vector<1024x128xf32> to vector<1024x128xbf16>
    %get3A_22 = arith.constant 0 : index
    %get3A_23 = arith.constant 0 : index
    %get3A_24 = vector.load %arg5[%get3A_22, %get3A_23] : memref<128x1xbf16, #tpu.memory_space<vmem>>, vector<128x1xbf16>
    %dot_general3A_25 = arith.constant dense<0.000000e+00> : vector<1024x1xf32>
    %dot_general3A_26 = tpu.matmul %convert_element_type3A_21, %get3A_24, %dot_general3A_25 {dimension_numbers = #tpu.dot_dimension_numbers<[1], [0], [0], [1], [0, 0, 1, 1], [], []>, transpose_lhs_hint = false} : vector<1024x128xbf16>, vector<128x1xbf16>, vector<1024x1xf32> -> vector<1024x1xf32>
    %get3A_27 = arith.constant 0 : index
    %get3A_28 = arith.constant 0 : index
    %get3A_29 = vector.load %arg6[%get3A_27, %get3A_28] : memref<1x1xf32, #tpu.memory_space<vmem>>, vector<1x1xf32>
    %add3A_30 = vector.broadcast %get3A_29 : vector<1x1xf32> to vector<1024x1xf32>
    %add3A_31 = arith.addf %dot_general3A_26, %add3A_30 : vector<1024x1xf32>
    %swap3A_32 = arith.constant 0 : index
    %swap3A_33 = arith.constant 0 : index
    %swap3A_34 = vector.load %arg8[%swap3A_32, %swap3A_33] : memref<1024x1xf32, #tpu.memory_space<vmem>>, vector<1024x1xf32>
    tpu.vector_store %arg8[%swap3A_32, %swap3A_33], %add3A_31 {strides = array<i32>} : memref<1024x1xf32, #tpu.memory_space<vmem>>, vector<1024x1xf32>,
    return
  }
  func.func @transform_0(%arg0: i32) -> (i32, i32) {
    %c0_i32 = arith.constant 0 : i32
    %c0_i32_0 = arith.constant 0 : i32
    %c0_i32_1 = arith.constant 0 : i32
    return %c0_i32, %c0_i32_0 : i32, i32
  }
  func.func @transform_1(%arg0: i32) -> (i32, i32) {
    %c0_i32 = arith.constant 0 : i32
    %c0_i32_0 = arith.constant 0 : i32
    %c0_i32_1 = arith.constant 0 : i32
    return %c0_i32, %c0_i32_0 : i32, i32
  }
  func.func @transform_2(%arg0: i32) -> (i32, i32) {
    %c0_i32 = arith.constant 0 : i32
    %c0_i32_0 = arith.constant 0 : i32
    %c0_i32_1 = arith.constant 0 : i32
    return %c0_i32, %c0_i32_0 : i32, i32
  }
  func.func @transform_3(%arg0: i32) -> (i32, i32) {
    %c0_i32 = arith.constant 0 : i32
    %c0_i32_0 = arith.constant 0 : i32
    %c0_i32_1 = arith.constant 0 : i32
    return %c0_i32, %c0_i32_0 : i32, i32
  }
  func.func @transform_4(%arg0: i32) -> (i32, i32) {
    %c0_i32 = arith.constant 0 : i32
    %c0_i32_0 = arith.constant 0 : i32
    %c0_i32_1 = arith.constant 0 : i32
    return %c0_i32, %c0_i32_0 : i32, i32
  }
  func.func @transform_5(%arg0: i32) -> (i32, i32) {
    %c0_i32 = arith.constant 0 : i32
    %c0_i32_0 = arith.constant 0 : i32
    %c0_i32_1 = arith.constant 0 : i32
    return %c0_i32, %c0_i32_0 : i32, i32
  }
  func.func @transform_6(%arg0: i32) -> (i32, i32) {
    %c0_i32 = arith.constant 0 : i32
    %c0_i32_0 = arith.constant 0 : i32
    %c0_i32_1 = arith.constant 0 : i32
    return %c0_i32, %c0_i32_0 : i32, i32
  }
  func.func @transform_7(%arg0: i32) -> (i32, i32) {
    %c0_i32 = arith.constant 0 : i32
    %c0_i32_0 = arith.constant 0 : i32
    %c0_i32_1 = arith.constant 0 : i32
    return %c0_i32, %c0_i32_0 : i32, i32
  }
}

</mosaic_0001>

<sc_bundles>
// kernel: kernel.6.cloned.1.call-start
scs
__scs_entry_jumppad:
0x0: {  	(pc) =	sbr.rel $0x88, $3  }
0x1: {  	(tag) =	ssettag $0x0;
	lr =	simm.s32 $0x1  }
0x2: {  	[smem:$0x3F8B] =	sst lr;
	_ =	strace $0xD0000000  }
0x3: {  	_ = 	snop  }
0x4: {  	_ = 	snop  }
0x5: {  	_ = 	snop  }
0x6: {  	_ = 	snop  }
0x7: {  	_ = 	snop  }
__scs_overlays_trampoline_lowered:
0x8: {  	[smem:$0x3F9A] =	sst s0  }
0x9: {  	[smem:$0x3F9B] =	sst s1  }
0xa: {  	[smem:$0x3F9C] =	sst s2  }
0xb: {  	[smem:$0x3F9D] =	sst s3  }
0xc: {  	[smem:$0x3F9E] =	sst s4  }
0xd: {  	[smem:$0x3F9F] =	sst s5  }
0xe: {  	[smem:$0x3FA0] =	sst s6  }
0xf: {  	[smem:$0x3FA1] =	sst s7  }
0x10: {  	[smem:$0x3FA2] =	sst s8  }
0x11: {  	[smem:$0x3FA3] =	sst s9;
	s0 =	simm.s32 @!p0 $0x0  }
0x12: {  	s1 =	sld [smem:$0x3F89];
	s0 =	simm.s32 @p0 $0x1  }
0x13: {  	[smem:$0x3FA4] =	sst s0;
	s0 =	simm.s32 @!p1 $0x0  }
0x14: {  	s2 =	sld [smem:$0x3F88];
	s0 =	simm.s32 @p1 $0x1  }
0x15: {  	[smem:$0x3FA5] =	sst s0;
	s0 =	simm.s32 @!p2 $0x0  }
0x16: {  	s3 =	sld [smem:$0x3FDB];
	s0 =	simm.s32 @p2 $0x1  }
0x17: {  	s4 =	simm.s32 $0x1BF5;
	[smem:$0x3FA7] =	sst s0  }
0x18: {  	s0 =	sld [smem:$0x3F8A];
	_ =	swait.ge [sflag:s4], $0x0  }
0x19: {  	s7 =	sld [smem:$0x3F8B]  }
0x1a: {  	s8 =	sadd.s32 $0xFFFFE003, lr  }
0x1b: {  	s9 =	sadd.s32 $0xFFFFFEF7, lr;
	s5 =	simm.s32 $0xFFFFFFFF;
	p2 =	slt.u32 s8, $0xFFFFF086  }
0x1c: {  	p1 =	slt.u32 s9, $0xF7A;
	s5 =	simm.s32 @!p2 $0x0  }
0x1d: {  	s5 =	simm.s32 @p1 $0x1;
	p0 =	seq.s32 s7, s2  }
0x1e: {  	s7 =	smul.u32 @!p0 $0xF7A, s2;
	p2 =	seq.s32 @!p0 s5, $0x0  }
0x1f: {  	s9 =	smul.u32 $0xF7A, s1;
	s8 =	simm.s32 @!p0 $0x1BF5;
	p2 =	por !p2, p0  }
0x20: {  	[sflag:s8] =	ssyncset.s32 @!p0 $0xFFFFF086;
	s6 =	sadd.s32 @!p0 s3, s7;
	s7 =	simm.s32 @!p0 $0x108  }
0x21: {  	s3 =	sadd.s32 s3, s9;
	s6 =	sadd.s32 @!p0 $0x88, s6;
	s7 =	simm.s32 @p2 $0x1082  }
0x22: {  	[simem:s7], [sflag:s8] =	dma.local @!p0 [hbm:s6], $0xF7A  }
0x23: {  	s9 =	sor.u32 $0xD0000000, s2;
	s6 =	simm.s32 $0x108;
	_ =	swait.ge @!p0 [sflag:s8], $0x0  }
0x24: {  	s3 =	sadd.s32 $0x88, s3;
	s6 =	simm.s32 @!p1 $0x1082;
	[sflag:s4] =	ssyncset.s32 $0xFFFFF086  }
0x25: {  	[simem:s6], [sflag:s4] =	dma.local [hbm:s3], $0xF7A  }
0x26: {  	[smem:$0x3F8B] =	sst s1;
	(tag) =	ssettag s2;
	_ =	strace s9  }
0x27: {  	s1 =	sld [smem:$0x3F9B]  }
0x28: {  	s2 =	sld [smem:$0x3F9C]  }
0x29: {  	s4 =	sld [smem:$0x3F9E]  }
0x2a: {  	p0 =	seq.s32 s5, $0x0;
	s5 =	sld [smem:$0x3F9F]  }
0x2b: {  	s6 =	sld [smem:$0x3FA0]  }
0x2c: {  	s7 =	sld [smem:$0x3FA1]  }
0x2d: {  	s3 =	simm.s32 $0x108;
	s8 =	sld [smem:$0x3FA2]  }
0x2e: {  	s3 =	simm.s32 @!p0 $0x1082;
	s9 =	sld [smem:$0x3FA3]  }
0x2f: {  	lr =	sadd.s32 s0, s3;
	s0 =	sld [smem:$0x3F9A]  }
0x30: {  	s3 =	sld [smem:$0x3F9D]  }
0x31: {  	[smem:$0x3FA6] =	sst s10  }
0x32: {  	s10 =	sld [smem:$0x3FA4];
	_ =	sdelay $0x3  }
0x33: {  	p0 =	seq.s32 s10, $0x1;
	s10 =	sld [smem:$0x3FA6];
	_ =	sdelay $0x3  }
0x34: {  	[smem:$0x3FA6] =	sst s10  }
0x35: {  	s10 =	sld [smem:$0x3FA5];
	_ =	sdelay $0x3  }
0x36: {  	p1 =	seq.s32 s10, $0x1;
	s10 =	sld [smem:$0x3FA6];
	_ =	sdelay $0x3  }
0x37: {  	[smem:$0x3FA6] =	sst s10  }
0x38: {  	s10 =	sld [smem:$0x3FA7]  }
0x39: {  	_ = 	snop;
	(pc) =	sbr.ind lr, $3  }
0x3a: {  	_ = 	snop  }
0x3b: {  	_ = 	snop  }
0x3c: {  	p2 =	seq.s32 s10, $0x1;
	s10 =	sld [smem:$0x3FA6]  }
0x3d: {  	_ =	shalt  }
0x3e: {  	_ =	shalt  }
0x3f: {  	_ =	shalt  }
0x40: {  	_ =	shalt  }
0x41: {  	_ =	shalt  }
0x42: {  	_ =	shalt  }
0x43: {  	_ =	shalt  }
0x44: {  	_ =	shalt  }
0x45: {  	_ =	shalt  }
0x46: {  	_ =	shalt  }
0x47: {  	_ =	shalt  }
0x48: {  	_ =	shalt  }
0x49: {  	_ =	shalt  }
0x4a: {  	_ =	shalt  }
0x4b: {  	_ =	shalt  }
0x4c: {  	_ =	shalt  }
0x4d: {  	_ =	shalt  }
0x4e: {  	_ =	shalt  }
0x4f: {  	_ =	shalt  }
0x50: {  	_ =	shalt  }
0x51: {  	_ =	shalt  }
0x52: {  	_ =	shalt  }
0x53: {  	_ =	shalt  }
0x54: {  	_ =	shalt  }
0x55: {  	_ =	shalt  }
0x56: {  	_ =	shalt  }
0x57: {  	_ =	shalt  }
0x58: {  	_ =	shalt  }
0x59: {  	_ =	shalt  }
0x5a: {  	_ =	shalt  }
0x5b: {  	_ =	shalt  }
0x5c: {  	_ =	shalt  }
0x5d: {  	_ =	shalt  }
0x5e: {  	_ =	shalt  }
0x5f: {  	_ =	shalt  }
0x60: {  	_ =	shalt  }
0x61: {  	_ =	shalt  }
0x62: {  	_ =	shalt  }
0x63: {  	_ =	shalt  }
0x64: {  	_ =	shalt  }
0x65: {  	_ =	shalt  }
0x66: {  	_ =	shalt  }
0x67: {  	_ =	shalt  }
0x68: {  	_ =	shalt  }
0x69: {  	_ =	shalt  }
0x6a: {  	_ =	shalt  }
0x6b: {  	_ =	shalt  }
0x6c: {  	_ =	shalt  }
0x6d: {  	_ =	shalt  }
0x6e: {  	_ =	shalt  }
0x6f: {  	_ =	shalt  }
0x70: {  	_ =	shalt  }
0x71: {  	_ =	shalt  }
0x72: {  	_ =	shalt  }
0x73: {  	_ =	shalt  }
0x74: {  	_ =	shalt  }
0x75: {  	_ =	shalt  }
0x76: {  	_ =	shalt  }
0x77: {  	_ =	shalt  }
0x78: {  	_ =	shalt  }
0x79: {  	_ =	shalt  }
0x7a: {  	_ =	shalt  }
0x7b: {  	_ =	shalt  }
0x7c: {  	_ =	shalt  }
0x7d: {  	_ =	shalt  }
0x7e: {  	_ =	shalt  }
0x7f: {  	_ =	shalt  }
0x80: {  	_ =	shalt  }
0x81: {  	_ =	shalt  }
0x82: {  	_ =	shalt  }
0x83: {  	_ =	shalt  }
0x84: {  	_ =	shalt  }
0x85: {  	_ =	shalt  }
0x86: {  	_ =	shalt  }
0x87: {  	_ =	shalt  }
.Lfunc_end0:
.L_simem_size_0:
called_computation_lowered:
.L_overlay_start_0:
0x88: {  	s2 =	sld [smem:$0x3FD9]  }
0x89: {  	s3 =	sld [smem:$0x3FFE];
	_ =	sdelay $0x1  }
0x8a: {  	s1 =	srdreg.scid  }
0x8b: {  	s0 =	sand.u32 $0x1, s1  }
0x8c: {  	s14 =	sshll.u32 s0, $0xA;
	s2 =	sadd.s32 s3, s2  }
0x8d: {  	s2 =	sadd.s32 s2, s14  }
0x8e: {  	[smem:$0x3FB2] =	sst s2  }
0x8f: {  	_ = 	snop  }
0x90: {  	s2 =	sld [smem:$0x3FD0];
	_ =	sdelay $0x2  }
0x91: {  	s4 =	simm.s32 $0xA;
	s5 =	simm.s32 $0x10;
	s15 =	sld [smem:$0x3FC7]  }
0x92: {  	[smem:s5], [sflag:s4] =	dma.local [hbm:s2], $0x1  }
0x93: {  	_ =	swait.eq [sflag:s4], $0x1  }
0x94: {  	[sflag:s4] =	ssyncset.done $0x0  }
0x95: {  	[sflag:s4] =	ssyncadd.s32 $0xFFFFFFFF  }
0x96: {  	s16 =	sld [smem:$0x11];
	(tm) =	ssettm $0x1  }
0x97: {  	s17 =	sld [smem:$0x3FFB];
	_ =	sdelay $0x3  }
0x98: {  	_ =	strace s17  }
0x99: {  	s4 =	sld [smem:$0x3FFC];
	_ =	sdelay $0x3  }
0x9a: {  	_ =	strace s4  }
0x9b: {  	s4 =	sld [smem:$0x3FFD];
	_ =	sdelay $0x3  }
0x9c: {  	_ =	strace s4  }
0x9d: {  	_ =	strace $0x8FFFFFFF  }
0x9e: {  	s18 =	sld [smem:$0x3FDB];
	_ =	sdelay $0x1  }
0x9f: {  	s19 =	simm.s32 $_scs_section_size  }
0xa0: {  	s6 =	simm.s32 $_size__tile_overlayer_lowered;
	s7 =	simm.s32 $_tile_overlayer_lowered  }
0xa1: {  	s22 =	simm.s32 $0x1BFF;
	s21 =	sshll.u32 s7, $0x1;
	s4 =	sadd.s32 s19, s18  }
0xa2: {  	s8 =	simm.s32 $0x0;
	s20 =	sshll.u32 s6, $0x1;
	s6 =	sadd.s32 s21, s4  }
0xa3: {  	[timem:s8], [sflag:s22] =	dma.local [hbm:s6], s20  }
0xa4: {  	_ =	swait.ge [sflag:s22], s20  }
0xa5: {  	s5 =	ssub.s32 $0x0, s20;
	[sflag:s22] =	ssyncset.done $0x0  }
0xa6: {  	[sflag:s22] =	ssyncadd.s32 s5;
	_ =	sdelay $0x1  }
0xa7: {  	s23 =	simm.s32 $0x1B8B  }
0xa8: {  	_ =	swait.ge [sflag:s23], $0x1  }
0xa9: {  	[sflag:s23] =	ssyncset.done $0x0  }
0xaa: {  	s25 =	simm.s32 $0x1B8E;
	s24 =	sld [smem:$0x3FFE];
	[sflag:s23] =	ssyncadd.s32 $0xFFFFFFFF  }
0xab: {  	s26 =	simm.s32 $execute0_lowered;
	[smem:$0x3FD2] =	sst s25  }
0xac: {  	s6 =	sshll.u32 s26, $0x1;
	_ =	strace $0x80000046;
	[dreg:$0x1] =	wrdreg $0xFFFFFFFF  }
0xad: {  	s28 =	simm.s32 $_size_execute0_lowered;
	s4 =	sadd.s32 s4, s6;
	[dreg:$0x0] =	wrdreg $0x0  }
0xae: {  	s6 =	sshll.u32 s28, $0x1;
	[dreg:$0x2] =	wrdreg s4  }
0xaf: {  	[dreg:$0x3] =	wrdreg s6  }
0xb0: {  	[dreg:$0x4] =	wrdreg $0xC0  }
0xb1: {  	_ =	task [dreg:s8], $0x5FFFF  }
0xb2: {  	[dreg:$0x1] =	wrdreg $0xFFFFFFFF  }
0xb3: {  	[dreg:$0x0] =	wrdreg $0x60  }
0xb4: {  	[dreg:$0x2] =	wrdreg s24  }
0xb5: {  	[dreg:$0x3] =	wrdreg s15  }
0xb6: {  	[dreg:$0x4] =	wrdreg s16  }
0xb7: {  	[dreg:$0x5] =	wrdreg $0x9  }
0xb8: {  	_ =	task.clear_ibuf [dreg:s8], $0x6FFFF;
	_ =	strace $0x90000046  }
0xb9: {  	s29 =	simm.s32 $0x9;
	_ =	strace $0x80000048  }
0xba: {  	_ =	swait.ge [sflag:s29], $0x1  }
0xbb: {  	[sflag:s29] =	ssyncadd.s32 $0xFFFFFFFF  }
0xbc: {  	_ =	strace $0x90000048  }
0xbd: {  	_ =	sfence  }
0xbe: {  	s30 =	sld [smem:$0x0];
	_ =	sdelay $0x2  }
0xbf: {  	s31 =	sshll.u32 s1, $0xD;
	s1 =	sshrl.u32 s1, $0x2  }
0xc0: {  	s3 =	sand.u32 $0x4000, s31;
	s1 =	sadd.s32 s1, s30  }
0xc1: {  	s0 =	sor.u32 s3, s0;
	s1 =	sshll.u32 s1, $0x11  }
0xc2: {  	s0 =	sor.u32 s1, s0  }
0xc3: {  	s0 =	sadd.s32 $0x8F2B, s0  }
0xc4: {  	[sflag:s0] =	ssyncadd.remote.s32 $0x1  }
0xc5: {  	_ =	sfence.sel $0xFFFF  }
0xc6: {  	[dreg:$0x0] =	wrdreg $0xFFFFFFFF;
	(pc) =	sbr.abs _section_cstart, $3  }
0xc7: {  	[dreg:$0x1] =	wrdreg $0xFFFFFFFF  }
0xc8: {  	_ =	task.clear_ibuf [dreg:s8], $0x2FFFF;
	_ =	strace $0x9FFFFFFF  }
0xc9: {  	(tm) =	ssettm $0x7FFFFFFF  }
tec
execute0_lowered:
.L_overlay_start_1:
0x0: {  	(tag) =	ssettag $0x1  }
0x1: {  	s4 =	rddreg [dreg:$0x0];
	s1 =	srdreg.scid  }
0x2: {  	s0 =	stileid.u32;
	s6 =	rddreg [dreg:$0x1]  }
0x3: {  	s2 =	rddreg [dreg:$0x2];
	s3 =	simm.s32 $0x0;
	s10 =	simm.s32 $0x400  }
0x4: {  	s11 =	simm.s32 $0x800;
	s5 =	sand.u32 $0x1, s1;
	s31 =	sshll.u32 s0, $0x1  }
0x5: {  	s12 =	simm.s32 $0x2F80;
	s13 =	simm.s32 $0x5700;
	s7 =	sor.u32 s5, s31  }
0x6: {  	s1 =	rddreg [dreg:$0x3];
	s5 =	ssub.s32 $0x2, s5;
	s7 =	smul.u32 $0x4E2, s7  }
0x7: {  	s14 =	simm.s32 $0x0;
	[smem:$0x7FF] =	sst s3;
	s9 =	sshrl.u32 s5, $0x1  }
0x8: {  	_ =	strace $0x80000047;
	s9 =	ssub.s32 s5, s9;
	s8 =	sadd.s32 s7, s4  }
0x9: {  	s4 =	sadd.s32 $0xC800, s4;
	s6 =	sadd.s32 s6, s7;
	s5 =	sadd.s32 $0x2A00, s8  }
0xa: {  	s7 =	sadd.s32 $0xCA00, s8;
	s8 =	smax.u32 s9, $0x1;
	s9 =	simm.s32 $0x1  }
.LBB2_1:
0xb: {  	[tilespmem:s3], [sflag:$0x1] =	stream.linear.gather [hbm4b:s4+s3], $0x400, $0x38;
	[tilespmem:$0x7E80] =	vst v63  }
0xc: {  	_ =	swait.ge [sflag:s9], $0x400  }
0xd: {  	[sflag:s9] =	ssyncset.done $0x0  }
0xe: {  	[sflag:s9] =	ssyncadd.s32 $0xFFFFFC00  }
0xf: {  	[tilespmem:s10], [sflag:$0x1] =	stream.linear.gather [hbm4b:s2+s3], $0x400, $0x38;
	[tilespmem:$0x7E80] =	vst v63  }
0x10: {  	_ =	swait.ge [sflag:s9], $0x400  }
0x11: {  	[sflag:s9] =	ssyncset.done $0x0  }
0x12: {  	[sflag:s9] =	ssyncadd.s32 $0xFFFFFC00  }
0x13: {  	[tilespmem:s11], [sflag:$0x1] =	stream.linear.gather [hbm4b:s5+s3], $0x2710, $0x38;
	[tilespmem:$0x7E80] =	vst v63  }
0x14: {  	_ =	swait.ge [sflag:s9], $0x2710  }
0x15: {  	[sflag:s9] =	ssyncset.done $0x0  }
0x16: {  	[sflag:s9] =	ssyncadd.s32 $0xFFFFD8F0  }
0x17: {  	[tilespmem:s12], [sflag:$0x1] =	stream.linear.gather [hbm4b:s6+s3], $0x2710, $0x38;
	[tilespmem:$0x7E80] =	vst v63  }
0x18: {  	_ =	swait.ge [sflag:s9], $0x2710  }
0x19: {  	[sflag:s9] =	ssyncset.done $0x0  }
0x1a: {  	s15 =	simm.s32 $0x0;
	[sflag:s9] =	ssyncadd.s32 $0xFFFFD8F0  }
0x1b: {  	v0 =	vld [tilespmem:s15+$0x2F80];
	_ =	sdelay $0x6  }
0x1c: {  	v2 =	vld [tilespmem:s15+$0x800]  }
0x1d: {  	v1 =	vld.idx.msk [tilespmem:v0+s3+$0x0], $0xffff;
	_ =	sdelay $0x4  }
0x1e: {  	v1 =	vsub.f32 v2, v1;
	_ =	sdelay $0x1  }
0x1f: {  	v1 =	vmul.f32 $1.442695020e+00, v1;
	_ =	sdelay $0x1  }
0x20: {  	(erf) = vpow2.f32 v1;
	_ =	sdelay $0x3  }
0x21: {  	s17 =	simm.s32 $0x10;
	s16 =	simm.s32 $0x80;
	v0 =	vld.idx.msk [tilespmem:v0+s10+$0x0], $0xffff  }
.LBB2_2:
0x22: {  	p0 =	sne.s32 s16, $0x9C00;
	v1 =	vld [tilespmem:s17+$0x2F80];
	_ =	sdelay $0x3  }
0x23: {  	v2 =	vpop (erf)  }
0x24: {  	v0 =	vmul.f32 v2, v0;
	_ =	sdelay $0x1  }
0x25: {  	[tilespmem:s15+$0x5700] =	vst v0;
	s15 =	smov.u32 s17  }
0x26: {  	v0 =	vld.idx.msk [tilespmem:v1+s3+$0x0], $0xffff  }
0x27: {  	v2 =	vld [tilespmem:s15+$0x800];
	_ =	sdelay $0x4  }
0x28: {  	v0 =	vsub.f32 v2, v0;
	_ =	sdelay $0x1  }
0x29: {  	v0 =	vmul.f32 $1.442695020e+00, v0;
	_ =	sdelay $0x1  }
.Ltmp0:
0x2a: {  	(erf) = vpow2.f32 v0;
	(pc) =	sbr.rel @p0 .LBB2_2-.Ltmp0, $2  }
0x2b: {  	_ =	sdelay $0x2  }
0x2c: {  	s17 =	sshra.s32 s16, $0x2;
	s16 =	sadd.s32 $0x40, s16;
	v0 =	vld.idx.msk [tilespmem:v1+s10+$0x0], $0xffff  }
0x2d: {  	v1 =	vld [tilespmem:s17+$0x2F80];
	_ =	sdelay $0x3  }
0x2e: {  	v2 =	vpop (erf)  }
0x2f: {  	v0 =	vmul.f32 v2, v0;
	_ =	sdelay $0x1  }
0x30: {  	[tilespmem:s15+$0x5700] =	vst v0  }
0x31: {  	v0 =	vld.idx.msk [tilespmem:v1+s3+$0x0], $0xffff  }
0x32: {  	v61 =	vld [tilespmem:s17+$0x800];
	_ =	sdelay $0x4  }
0x33: {  	v0 =	vsub.f32 v61, v0;
	_ =	sdelay $0x1  }
0x34: {  	v0 =	vmul.f32 $1.442695020e+00, v0;
	_ =	sdelay $0x1  }
0x35: {  	(erf) = vpow2.f32 v0;
	_ =	sdelay $0x4  }
0x36: {  	v62 =	vld.idx.msk [tilespmem:v1+s10+$0x0], $0xffff;
	_ =	sdelay $0x3  }
0x37: {  	v63 =	vpop (erf)  }
0x38: {  	s14 =	sadd.s32 $0x1, s14;
	v0 =	vmul.f32 v63, v62  }
0x39: {  	p0 =	sne.s32 s14, s8  }
.Ltmp1:
0x3a: {  	[tilespmem:s17+$0x5700] =	vst v0;
	(pc) =	sbr.rel @p0 .LBB2_1-.Ltmp1, $4  }
0x3b: {  	[hbm4b:s7+s3] =	stream.linear.scatter [tilespmem:s13], [sflag:$0x1], $0x2710, $0x38;
	[tilespmem:$0x7E80] =	vst v63  }
0x3c: {  	_ =	swait.ge [sflag:s9], $0x2710  }
0x3d: {  	[sflag:s9] =	ssyncset.done $0x0  }
0x3e: {  	[sflag:s9] =	ssyncadd.s32 $0xFFFFD8F0  }
0x3f: {  	_ =	sfence.sel $0x180000  }
0x40: {  	[bflag:$0x0] =	sbarrier.arrive $0xFFFF  }
0x41: {  	p0 =	sne.s32 s0, $0x0;
	_ =	strace $0x90000047  }
0x42: {  	s0 =	sadd.s32 @!p0 $0x100000, s1;
	[bflag:$0x2] =	sbarrier.arrive $0xFFFF  }
0x43: {  	[sflag:s0] =	ssyncadd.tile.s32 @!p0 $0x1;
	_ =	shalt  }
.Lfunc_end2:
_tile_overlayer_lowered:
.L_overlay_start_2:
0x44: {  	(tag) =	ssettag $0x2  }
0x45: {  	s0 =	rddreg [dreg:$0x0];
	s2 =	stileid.u32  }
0x46: {  	s1 =	rddreg [dreg:$0x1];
	p0 =	sne.s32 s2, $0x0  }
0x47: {  	s3 =	rddreg [dreg:$0x2];
	[bflag:$0x3] =	sbarrier.arrive $0xFFFF;
	s2 =	simm.s32 @!p0 $0x1C01  }
0x48: {  	[timem:s3], [sflag:s2] =	dma.local @!p0 [hbm:s0], s1  }
0x49: {  	s0 =	simm.s32 @!p0 $0x1  }
0x4a: {  	_ =	swait.ge @!p0 [sflag:s0], s1  }
0x4b: {  	s1 =	ssub.s32 @!p0 $0x0, s1;
	[sflag:s0] =	ssyncset.done @!p0 $0x0  }
0x4c: {  	[sflag:s0] =	ssyncadd.s32 @!p0 s1  }
0x4d: {  	[bflag:$0x3] =	sbarrier.arrive $0xFFFF  }
0x4e: {  	_ =	shalt  }

</sc_bundles>
